<compile_context>
chip_gen: v7x
topology: tpu7x:2x2x1
jax: 0.10.2.dev20260603
libtpu: 0.0.44.dev20260713+nightly
codegen_flags: <defaults>
</compile_context>

<pallas_src>
import functools

import jax
import jax.numpy as jnp
from jax import lax
from jax.experimental import pallas as pl
from jax.experimental.pallas import tpu as pltpu
from jax.experimental.pallas import tpu_sc as plsc

_SEED_NUM = 64
_BANDWIDTH = 11.5
_BW2 = _BANDWIDTH * _BANDWIDTH
_ITERATION = 5

_N = 100000
_D = 64
_C = 12800
_NB = 8
_NPAD = _NB * _C
_PAD_VAL = 1.0e4
_NPASS = _ITERATION + 2

_INIT_IDX = (
    13981, 33398, 10316, 30127, 50841, 5547, 46017, 36849, 44199, 46177,
    20854, 90072, 77379, 30466, 99280, 32312, 27183, 17136, 75016, 1315,
    95086, 46539, 57447, 69504, 37577, 19026, 97387, 60803, 54291, 23894,
    29338, 34337, 4524, 11867, 17076, 63104, 28084, 10117, 89475, 59784,
    25275, 3516, 44150, 87140, 30842, 87331, 77172, 88814, 86999, 78873,
    41737, 78764, 3005, 47461, 20115, 7642, 81396, 74389, 55676, 41898,
    74412, 35131, 46618, 25868,
)


def _fused_body(x_ref, c_out_ref, mask_ref, idx_out_ref,
                xt_s, thr_s, c0s, cur, prev, sums, counts, run_min, run_idx):
    it = pl.program_id(0)
    j = pl.program_id(1)

    @pl.when(jnp.logical_and(it == 1, j == 0))
    def _start():
        cur[...] = c0s[...]
        sums[...] = jnp.zeros_like(sums)
        counts[...] = jnp.zeros_like(counts)

    @pl.when(jnp.logical_and(it > 1, j == 0))
    def _advance():
        cnt = jnp.maximum(counts[...], 1.0)
        prev[...] = cur[...]
        cur[...] = sums[...] / cnt
        sums[...] = jnp.zeros_like(sums)
        counts[...] = jnp.zeros_like(counts)

    @pl.when(jnp.logical_and(it == _NPASS - 1, j == 0))
    def _init_argmin():
        run_min[...] = jnp.full_like(run_min, jnp.inf)
        run_idx[...] = jnp.zeros_like(run_idx)

    @pl.when(it == 0)
    def _load_transpose():
        raw = x_ref[...]
        xt = raw.T
        lane = lax.broadcasted_iota(jnp.int32, (1, _C), 1)
        valid = lane < (_N - j * _C)
        xt = jnp.where(valid, xt, _PAD_VAL)
        xt_s[:, pl.ds(j * _C, _C)] = xt
        x2 = jnp.sum(xt * xt, axis=0, keepdims=True)
        thr_s[:, pl.ds(j * _C, _C)] = _BW2 - x2

    for _blk in range(_NB):
        _rows = [(s, g - _blk * _C) for s, g in enumerate(_INIT_IDX)
                 if _blk * _C <= g < (_blk + 1) * _C]
        if not _rows:
            continue

        @pl.when(jnp.logical_and(it == 0, j == _blk))
        def _collect(_rows=_rows):
            raw = x_ref[...]
            for s, r in _rows:
                c0s[s:s + 1, :] = raw[r:r + 1, :]

    xb = xt_s[:, pl.ds(j * _C, _C)]
    thr = thr_s[:, pl.ds(j * _C, _C)]

    @pl.when(jnp.logical_and(it >= 1, it <= _ITERATION))
    def _accumulate():
        c = cur[...]
        c2 = jnp.sum(c * c, axis=1, keepdims=True)
        mm = lax.dot_general(-2.0 * c, xb, (((1,), (0,)), ((), ())),
                             preferred_element_type=jnp.float32)
        maskf = ((mm + c2) < thr).astype(jnp.float32)
        sums[...] += lax.dot_general(maskf, xb, (((1,), (1,)), ((), ())),
                                     preferred_element_type=jnp.float32)
        ones_col = jnp.ones((_C, 1), dtype=jnp.float32)
        counts[...] += lax.dot_general(maskf, ones_col,
                                       (((1,), (0,)), ((), ())),
                                       preferred_element_type=jnp.float32)

    @pl.when(it == _NPASS - 1)
    def _finalize():
        cp = prev[...]
        cn = cur[...]
        x2 = jnp.sum(xb * xb, axis=0, keepdims=True)

        c2p = jnp.sum(cp * cp, axis=1, keepdims=True)
        mmp = lax.dot_general(-2.0 * cp, xb, (((1,), (0,)), ((), ())),
                              preferred_element_type=jnp.float32)
        m = (mmp + c2p) < thr
        mask_ref[...] = m

        c2n = jnp.sum(cn * cn, axis=1, keepdims=True)
        mmn = lax.dot_general(-2.0 * cn, xb, (((1,), (0,)), ((), ())),
                              preferred_element_type=jnp.float32)
        d2n = (c2n + x2) + mmn
        disn = jnp.sqrt(jnp.maximum(d2n, 0.0))
        vals = jnp.where(m, disn, jnp.inf)

        bmin = jnp.min(vals, axis=1, keepdims=True)
        li = lax.broadcasted_iota(jnp.int32, vals.shape, 1)
        cand = jnp.where(vals == bmin, li, _C)
        bidx = jnp.min(cand, axis=1, keepdims=True)

        upd = bmin < run_min[...]
        run_idx[...] = jnp.where(upd, j * _C + bidx, run_idx[...])
        run_min[...] = jnp.where(upd, bmin, run_min[...])

        @pl.when(j == _NB - 1)
        def _emit():
            c_out_ref[...] = cn
            idx_out_ref[...] = run_idx[...]


_GATHER_ROWS_PER_WORKER = 8
_GATHER_WORKERS = _SEED_NUM // _GATHER_ROWS_PER_WORKER


def _sc_gather(x, idx):
    info = plsc.get_sparse_core_info()
    nc = info.num_cores
    mesh = plsc.VectorSubcoreMesh(core_axis_name="c", subcore_axis_name="s")

    @functools.partial(
        pl.kernel, mesh=mesh,
        out_type=jax.ShapeDtypeStruct((_SEED_NUM, _D), jnp.float32),
        compiler_params=pltpu.CompilerParams(use_tc_tiling_on_sc=False),
        scratch_types=[
            pltpu.VMEM((_GATHER_ROWS_PER_WORKER,), jnp.int32),
            pltpu.VMEM((_GATHER_ROWS_PER_WORKER, _D), jnp.float32),
            pltpu.SemaphoreType.DMA,
        ],
    )
    def k(table_hbm, idx_hbm, out_hbm, idx_v, rows_v, sem):
        wid = lax.axis_index("s") * nc + lax.axis_index("c")

        @pl.when(wid < _GATHER_WORKERS)
        def _():
            base = wid * _GATHER_ROWS_PER_WORKER
            pltpu.sync_copy(idx_hbm.at[pl.ds(base, _GATHER_ROWS_PER_WORKER)],
                            idx_v)
            pltpu.async_copy(table_hbm.at[idx_v], rows_v, sem).wait()
            pltpu.sync_copy(rows_v,
                            out_hbm.at[pl.ds(base, _GATHER_ROWS_PER_WORKER)])

    return k(x, idx)


def kernel(x):
    centers, mask, idx2d = pl.pallas_call(
        _fused_body,
        grid=(_NPASS, _NB),
        in_specs=[
            pl.BlockSpec((_C, _D),
                         lambda it, j: (jnp.where(it == 0, j, 0), 0)),
        ],
        out_specs=[
            pl.BlockSpec((_SEED_NUM, _D), lambda it, j: (0, 0)),
            pl.BlockSpec((_SEED_NUM, _C),
                         lambda it, j: (0, jnp.where(it == _NPASS - 1, j, 0))),
            pl.BlockSpec((_SEED_NUM, 1), lambda it, j: (0, 0)),
        ],
        out_shape=[
            jax.ShapeDtypeStruct((_SEED_NUM, _D), jnp.float32),
            jax.ShapeDtypeStruct((_SEED_NUM, _N), jnp.bool_),
            jax.ShapeDtypeStruct((_SEED_NUM, 1), jnp.int32),
        ],
        scratch_shapes=[
            pltpu.VMEM((_D, _NPAD), jnp.float32),
            pltpu.VMEM((1, _NPAD), jnp.float32),
            pltpu.VMEM((_SEED_NUM, _D), jnp.float32),
            pltpu.VMEM((_SEED_NUM, _D), jnp.float32),
            pltpu.VMEM((_SEED_NUM, _D), jnp.float32),
            pltpu.VMEM((_SEED_NUM, _D), jnp.float32),
            pltpu.VMEM((_SEED_NUM, 1), jnp.float32),
            pltpu.VMEM((_SEED_NUM, 1), jnp.float32),
            pltpu.VMEM((_SEED_NUM, 1), jnp.int32),
        ],
        compiler_params=pltpu.CompilerParams(
            vmem_limit_bytes=100 * 1024 * 1024,
        ),
    )(x)

    index_similar = idx2d.reshape(_SEED_NUM)
    center_similar = _sc_gather(x, index_similar)
    return centers, mask, center_similar, index_similar

# --- scband reference (transcript-rebuilt; emitter-appended) ---
"""Pipeline reference for scband-mean-shift-layer-15341623181313 (READ-ONLY COPY).

The authoritative reference and input builder live on the scoring server;
editing this copy changes nothing except your own understanding.
"""

import jax, jax.numpy as jnp
import numpy as np

SEED_NUM = 64
BANDWIDTH = 11.5
ITERATION = 5


def _euclidean(x, centers):
    # pairwise euclidean distance: centers [S, d], x [N, d] -> [S, N]
    x2 = jnp.sum(x * x, axis=1)
    c2 = jnp.sum(centers * centers, axis=1)
    d2 = c2[:, None] + x2[None, :] - 2.0 * (centers @ x.T)
    return jnp.sqrt(jnp.clip(d2, 0.0, None))


def setup_inputs(seed: int = 0) -> dict:
    key = jax.random.key(seed)
    x = jax.random.normal(key, (100000, 64), dtype=jnp.float32)
    return {"x": x}


def reference(x):
    n = x.shape[0]
    # init_points = x[randperm(n)[:seed_num]] (deterministic key for reproducibility)
    perm = jax.random.permutation(jax.random.key(1), n)
    centers = x[perm[:SEED_NUM]]
    mask = jnp.zeros((SEED_NUM, n), dtype=bool)
    for _ in range(ITERATION):
        dis = _euclidean(x, centers)          # flat kernel: dis < bandwidth
        mask = dis < BANDWIDTH                # index_class (as boolean membership matrix)
        maskf = mask.astype(x.dtype)
        counts = jnp.maximum(maskf.sum(axis=1, keepdims=True), 1.0)
        centers = (maskf @ x) / counts        # mean of in-bandwidth points
    # pick the real data point closest to each (updated) center, restricted to
    # the neighborhood found in the last iteration (matches original ordering:
    # index_class comes from pre-update centers, distance uses updated center)
    dis_new = _euclidean(x, centers)
    masked = jnp.where(mask, dis_new, jnp.inf)
    index_similar = jnp.argmin(masked, axis=1)   # [S]
    center_similar = x[index_similar]            # [S, d]
    return centers, mask, center_similar, index_similar

if __name__ == "__main__":
    import jax
    _d = setup_inputs()
    print(jax.jit(kernel)(*tuple(_d.values())))

</pallas_src>

<mosaic_0001>
#map = affine_map<(d0, d1) -> (0, 0)>
#map1 = affine_map<(d0, d1) -> (0)>
module attributes {stable_mosaic.version = 14 : i64} {
  func.func @k(%arg0: i32, %arg1: i32, %arg2: memref<100000x64xf32, #tpu.memory_space<hbm>>, %arg3: memref<64xi32, #tpu.memory_space<hbm>>, %arg4: memref<64x64xf32, #tpu.memory_space<hbm>>, %arg5: memref<8xi32, #tpu.memory_space<vmem>>, %arg6: memref<8x64xf32, #tpu.memory_space<vmem>>, %arg7: memref<!tpu.dma_semaphore, #tpu.memory_space<semaphore_mem>>) attributes {dimension_semantics = [#tpu.dimension_semantics<core_parallel>, #tpu.dimension_semantics<subcore_parallel>], iteration_bounds = array<i64: 2, 16>, scalar_prefetch = 0 : i64, scratch_operands = 3 : i64, tpu.core_type = #tpu.core_type<sc_vector_subcore>, window_params = [{transform_indices = #map}, {transform_indices = #map1}, {transform_indices = #map}]} {
    %mul3A = arith.constant 2 : i32
    %mul3A_0 = arith.muli %arg1, %mul3A : i32
    %add3A = arith.addi %mul3A_0, %arg0 : i32
    %lt3A = arith.constant 8 : i32
    %lt3A_1 = arith.cmpi slt, %add3A, %lt3A : i32
    %convert_element_type3A = arith.extui %lt3A_1 : i1 to i32
    %cond3A = arith.constant 0 : i32
    %cond3A_2 = arith.cmpi ne, %convert_element_type3A, %cond3A : i32
    scf.if %cond3A_2 {
      %mul3A_3 = arith.constant 8 : i32
      %mul3A_4 = arith.muli %add3A, %mul3A_3 : i32
      "tpu.region"() ({
        %run_scoped3A = tpu.sem_alloc : memref<!tpu.dma_semaphore, #tpu.memory_space<semaphore_mem>>
        %dma_start3A_9 = tpu.memref_slice %arg3[%mul3A_4] : memref<64xi32, #tpu.memory_space<hbm>> -> memref<8xi32, #tpu.memory_space<hbm>>
        %dma_start3A_10 = tpu.memref_slice %arg3[%mul3A_4] : memref<64xi32, #tpu.memory_space<hbm>> -> memref<8xi32, #tpu.memory_space<hbm>>
        tpu.enqueue_dma source(%dma_start3A_10 : memref<8xi32, #tpu.memory_space<hbm>>) target(%arg5 : memref<8xi32, #tpu.memory_space<vmem>>) target_semaphore(%run_scoped3A : memref<!tpu.dma_semaphore, #tpu.memory_space<semaphore_mem>>)
        %dma_wait3A_11 = tpu.memref_slice %arg3[%mul3A_4] : memref<64xi32, #tpu.memory_space<hbm>> -> memref<8xi32, #tpu.memory_space<hbm>>
        %dma_wait3A_12 = tpu.memref_slice %arg3[%mul3A_4] : memref<64xi32, #tpu.memory_space<hbm>> -> memref<8xi32, #tpu.memory_space<hbm>>
        tpu.wait_dma2 semaphore(%run_scoped3A : memref<!tpu.dma_semaphore, #tpu.memory_space<semaphore_mem>>) src(%dma_wait3A_12 : memref<8xi32, #tpu.memory_space<hbm>>) dst(%arg5 : memref<8xi32, #tpu.memory_space<vmem>>)
        tpu.yield
      }) : () -> ()
      %dma_start3A = arith.constant 0 : i32
      %dma_start3A_5 = arith.constant 0 : i32
      %dma_start3A_6 = tpu.memref_slice %arg2[%dma_start3A, %dma_start3A_5] : memref<100000x64xf32, #tpu.memory_space<hbm>> -> memref<100000x64xf32, #tpu.memory_space<hbm>>
      tpu.enqueue_indirect_dma source(%dma_start3A_6 : memref<100000x64xf32, #tpu.memory_space<hbm>>) target(%arg6 : memref<8x64xf32, #tpu.memory_space<vmem>>) offsets(%arg5 : memref<8xi32, #tpu.memory_space<vmem>>) semaphore(%arg7 : memref<!tpu.dma_semaphore, #tpu.memory_space<semaphore_mem>>)
      %dma_wait3A = arith.constant 0 : i32
      %dma_wait3A_7 = arith.constant 0 : i32
      %dma_wait3A_8 = tpu.memref_slice %arg2[%dma_wait3A, %dma_wait3A_7] : memref<100000x64xf32, #tpu.memory_space<hbm>> -> memref<100000x64xf32, #tpu.memory_space<hbm>>
      tpu.wait_indirect_dma semaphore(%arg7 : memref<!tpu.dma_semaphore, #tpu.memory_space<semaphore_mem>>) src(%dma_wait3A_8 : memref<100000x64xf32, #tpu.memory_space<hbm>>) dst(%arg6 : memref<8x64xf32, #tpu.memory_space<vmem>>)
      "tpu.region"() ({
        %run_scoped3A = tpu.sem_alloc : memref<!tpu.dma_semaphore, #tpu.memory_space<semaphore_mem>>
        %dma_start3A_9 = arith.constant 0 : i32
        %dma_start3A_10 = tpu.memref_slice %arg4[%mul3A_4, %dma_start3A_9] : memref<64x64xf32, #tpu.memory_space<hbm>> -> memref<8x64xf32, #tpu.memory_space<hbm>>
        %dma_start3A_11 = arith.constant 0 : i32
        %dma_start3A_12 = tpu.memref_slice %arg4[%mul3A_4, %dma_start3A_11] : memref<64x64xf32, #tpu.memory_space<hbm>> -> memref<8x64xf32, #tpu.memory_space<hbm>>
        tpu.enqueue_dma source(%arg6 : memref<8x64xf32, #tpu.memory_space<vmem>>) target(%dma_start3A_12 : memref<8x64xf32, #tpu.memory_space<hbm>>) target_semaphore(%run_scoped3A : memref<!tpu.dma_semaphore, #tpu.memory_space<semaphore_mem>>)
        %dma_wait3A_13 = arith.constant 0 : i32
        %dma_wait3A_14 = tpu.memref_slice %arg4[%mul3A_4, %dma_wait3A_13] : memref<64x64xf32, #tpu.memory_space<hbm>> -> memref<8x64xf32, #tpu.memory_space<hbm>>
        %dma_wait3A_15 = arith.constant 0 : i32
        %dma_wait3A_16 = tpu.memref_slice %arg4[%mul3A_4, %dma_wait3A_15] : memref<64x64xf32, #tpu.memory_space<hbm>> -> memref<8x64xf32, #tpu.memory_space<hbm>>
        tpu.wait_dma2 semaphore(%run_scoped3A : memref<!tpu.dma_semaphore, #tpu.memory_space<semaphore_mem>>) src(%arg6 : memref<8x64xf32, #tpu.memory_space<vmem>>) dst(%dma_wait3A_16 : memref<8x64xf32, #tpu.memory_space<hbm>>)
        tpu.yield
      }) : () -> ()
    } else {
    }
    return
  }
}

module attributes {stable_mosaic.version = 14 : i64} {
  func.func @_fused_body(%arg0: i32, %arg1: i32, %arg2: memref<12800x64xf32, #tpu.memory_space<vmem>>, %arg3: memref<64x64xf32, #tpu.memory_space<vmem>>, %arg4: memref<64x12800xi32, #tpu.memory_space<vmem>>, %arg5: memref<64x1xi32, #tpu.memory_space<vmem>>, %arg6: memref<64x102400xf32, #tpu.memory_space<vmem>>, %arg7: memref<1x102400xf32, #tpu.memory_space<vmem>>, %arg8: memref<64x64xf32, #tpu.memory_space<vmem>>, %arg9: memref<64x64xf32, #tpu.memory_space<vmem>>, %arg10: memref<64x64xf32, #tpu.memory_space<vmem>>, %arg11: memref<64x64xf32, #tpu.memory_space<vmem>>, %arg12: memref<64x1xf32, #tpu.memory_space<vmem>>, %arg13: memref<64x1xf32, #tpu.memory_space<vmem>>, %arg14: memref<64x1xi32, #tpu.memory_space<vmem>>) attributes {dimension_semantics = [#tpu.dimension_semantics<arbitrary>, #tpu.dimension_semantics<arbitrary>], iteration_bounds = array<i64: 7, 8>, scalar_prefetch = 0 : i64, scratch_operands = 9 : i64, tpu.core_type = #tpu.core_type<tc>, window_params = [{transform_indices = @transform_0, window_bounds = array<i64: 12800, 64>}, {pipeline_mode = #tpu.pipeline_mode<synchronous>, transform_indices = @transform_1, window_bounds = array<i64: 64, 64>}, {transform_indices = @transform_2, window_bounds = array<i64: 64, 12800>}, {pipeline_mode = #tpu.pipeline_mode<synchronous>, transform_indices = @transform_3, window_bounds = array<i64: 64, 1>}]} {
    %eq3A = arith.constant 1 : i32
    %eq3A_0 = arith.cmpi eq, %arg0, %eq3A : i32
    %eq3A_1 = arith.constant 0 : i32
    %eq3A_2 = arith.cmpi eq, %arg1, %eq3A_1 : i32
    %and3A = arith.andi %eq3A_0, %eq3A_2 : i1
    %convert_element_type3A = arith.extui %and3A : i1 to i32
    %cond3A = arith.constant 0 : i32
    %cond3A_3 = arith.cmpi ne, %convert_element_type3A, %cond3A : i32
    scf.if %cond3A_3 {
      %get3A_107 = arith.constant 0 : index
      %get3A_108 = arith.constant 0 : index
      %get3A_109 = vector.load %arg8[%get3A_107, %get3A_108] : memref<64x64xf32, #tpu.memory_space<vmem>>, vector<64x64xf32>
      %swap3A = arith.constant 0 : index
      %swap3A_110 = arith.constant 0 : index
      %swap3A_111 = vector.load %arg9[%swap3A, %swap3A_110] : memref<64x64xf32, #tpu.memory_space<vmem>>, vector<64x64xf32>
      tpu.vector_store %arg9[%swap3A, %swap3A_110], %get3A_109 {strides = array<i32>} : memref<64x64xf32, #tpu.memory_space<vmem>>, vector<64x64xf32>,
      %broadcast_in_dim3A = arith.constant 0.000000e+00 : f32
      %broadcast_in_dim3A_112 = vector.broadcast %broadcast_in_dim3A : f32 to vector<64x64xf32>
      %swap3A_113 = arith.constant 0 : index
      %swap3A_114 = arith.constant 0 : index
      %swap3A_115 = vector.load %arg11[%swap3A_113, %swap3A_114] : memref<64x64xf32, #tpu.memory_space<vmem>>, vector<64x64xf32>
      tpu.vector_store %arg11[%swap3A_113, %swap3A_114], %broadcast_in_dim3A_112 {strides = array<i32>} : memref<64x64xf32, #tpu.memory_space<vmem>>, vector<64x64xf32>,
      %broadcast_in_dim3A_116 = arith.constant 0.000000e+00 : f32
      %broadcast_in_dim3A_117 = vector.broadcast %broadcast_in_dim3A_116 : f32 to vector<64x1xf32>
      %swap3A_118 = arith.constant 0 : index
      %swap3A_119 = arith.constant 0 : index
      %swap3A_120 = vector.load %arg12[%swap3A_118, %swap3A_119] : memref<64x1xf32, #tpu.memory_space<vmem>>, vector<64x1xf32>
      tpu.vector_store %arg12[%swap3A_118, %swap3A_119], %broadcast_in_dim3A_117 {strides = array<i32>} : memref<64x1xf32, #tpu.memory_space<vmem>>, vector<64x1xf32>,
    } else {
    }
    %gt3A = arith.constant 1 : i32
    %gt3A_4 = arith.cmpi sgt, %arg0, %gt3A : i32
    %eq3A_5 = arith.constant 0 : i32
    %eq3A_6 = arith.cmpi eq, %arg1, %eq3A_5 : i32
    %and3A_7 = arith.andi %gt3A_4, %eq3A_6 : i1
    %convert_element_type3A_8 = arith.extui %and3A_7 : i1 to i32
    %cond3A_9 = arith.constant 0 : i32
    %cond3A_10 = arith.cmpi ne, %convert_element_type3A_8, %cond3A_9 : i32
    scf.if %cond3A_10 {
      %get3A_107 = arith.constant 0 : index
      %get3A_108 = arith.constant 0 : index
      %get3A_109 = vector.load %arg12[%get3A_107, %get3A_108] : memref<64x1xf32, #tpu.memory_space<vmem>>, vector<64x1xf32>
      %max3A = arith.constant 1.000000e+00 : f32
      %max3A_110 = vector.broadcast %max3A : f32 to vector<64x1xf32>
      %max3A_111 = arith.maximumf %get3A_109, %max3A_110 : vector<64x1xf32>
      %get3A_112 = arith.constant 0 : index
      %get3A_113 = arith.constant 0 : index
      %get3A_114 = vector.load %arg9[%get3A_112, %get3A_113] : memref<64x64xf32, #tpu.memory_space<vmem>>, vector<64x64xf32>
      %swap3A = arith.constant 0 : index
      %swap3A_115 = arith.constant 0 : index
      %swap3A_116 = vector.load %arg10[%swap3A, %swap3A_115] : memref<64x64xf32, #tpu.memory_space<vmem>>, vector<64x64xf32>
      tpu.vector_store %arg10[%swap3A, %swap3A_115], %get3A_114 {strides = array<i32>} : memref<64x64xf32, #tpu.memory_space<vmem>>, vector<64x64xf32>,
      %get3A_117 = arith.constant 0 : index
      %get3A_118 = arith.constant 0 : index
      %get3A_119 = vector.load %arg11[%get3A_117, %get3A_118] : memref<64x64xf32, #tpu.memory_space<vmem>>, vector<64x64xf32>
      %div3A = vector.broadcast %max3A_111 : vector<64x1xf32> to vector<64x64xf32>
      %div3A_120 = arith.divf %get3A_119, %div3A : vector<64x64xf32>
      %swap3A_121 = arith.constant 0 : index
      %swap3A_122 = arith.constant 0 : index
      %swap3A_123 = vector.load %arg9[%swap3A_121, %swap3A_122] : memref<64x64xf32, #tpu.memory_space<vmem>>, vector<64x64xf32>
      tpu.vector_store %arg9[%swap3A_121, %swap3A_122], %div3A_120 {strides = array<i32>} : memref<64x64xf32, #tpu.memory_space<vmem>>, vector<64x64xf32>,
      %broadcast_in_dim3A = arith.constant 0.000000e+00 : f32
      %broadcast_in_dim3A_124 = vector.broadcast %broadcast_in_dim3A : f32 to vector<64x64xf32>
      %swap3A_125 = arith.constant 0 : index
      %swap3A_126 = arith.constant 0 : index
      %swap3A_127 = vector.load %arg11[%swap3A_125, %swap3A_126] : memref<64x64xf32, #tpu.memory_space<vmem>>, vector<64x64xf32>
      tpu.vector_store %arg11[%swap3A_125, %swap3A_126], %broadcast_in_dim3A_124 {strides = array<i32>} : memref<64x64xf32, #tpu.memory_space<vmem>>, vector<64x64xf32>,
      %broadcast_in_dim3A_128 = arith.constant 0.000000e+00 : f32
      %broadcast_in_dim3A_129 = vector.broadcast %broadcast_in_dim3A_128 : f32 to vector<64x1xf32>
      %swap3A_130 = arith.constant 0 : index
      %swap3A_131 = arith.constant 0 : index
      %swap3A_132 = vector.load %arg12[%swap3A_130, %swap3A_131] : memref<64x1xf32, #tpu.memory_space<vmem>>, vector<64x1xf32>
      tpu.vector_store %arg12[%swap3A_130, %swap3A_131], %broadcast_in_dim3A_129 {strides = array<i32>} : memref<64x1xf32, #tpu.memory_space<vmem>>, vector<64x1xf32>,
    } else {
    }
    %eq3A_11 = arith.constant 6 : i32
    %eq3A_12 = arith.cmpi eq, %arg0, %eq3A_11 : i32
    %eq3A_13 = arith.constant 0 : i32
    %eq3A_14 = arith.cmpi eq, %arg1, %eq3A_13 : i32
    %and3A_15 = arith.andi %eq3A_12, %eq3A_14 : i1
    %convert_element_type3A_16 = arith.extui %and3A_15 : i1 to i32
    %cond3A_17 = arith.constant 0 : i32
    %cond3A_18 = arith.cmpi ne, %convert_element_type3A_16, %cond3A_17 : i32
    scf.if %cond3A_18 {
      %broadcast_in_dim3A = arith.constant 0x7F800000 : f32
      %broadcast_in_dim3A_107 = vector.broadcast %broadcast_in_dim3A : f32 to vector<64x1xf32>
      %swap3A = arith.constant 0 : index
      %swap3A_108 = arith.constant 0 : index
      %swap3A_109 = vector.load %arg13[%swap3A, %swap3A_108] : memref<64x1xf32, #tpu.memory_space<vmem>>, vector<64x1xf32>
      tpu.vector_store %arg13[%swap3A, %swap3A_108], %broadcast_in_dim3A_107 {strides = array<i32>} : memref<64x1xf32, #tpu.memory_space<vmem>>, vector<64x1xf32>,
      %broadcast_in_dim3A_110 = arith.constant 0 : i32
      %broadcast_in_dim3A_111 = vector.broadcast %broadcast_in_dim3A_110 : i32 to vector<64x1xi32>
      %swap3A_112 = arith.constant 0 : index
      %swap3A_113 = arith.constant 0 : index
      %swap3A_114 = vector.load %arg14[%swap3A_112, %swap3A_113] : memref<64x1xi32, #tpu.memory_space<vmem>>, vector<64x1xi32>
      tpu.vector_store %arg14[%swap3A_112, %swap3A_113], %broadcast_in_dim3A_111 {strides = array<i32>} : memref<64x1xi32, #tpu.memory_space<vmem>>, vector<64x1xi32>,
    } else {
    }
    %eq3A_19 = arith.constant 0 : i32
    %eq3A_20 = arith.cmpi eq, %arg0, %eq3A_19 : i32
    %convert_element_type3A_21 = arith.extui %eq3A_20 : i1 to i32
    %cond3A_22 = arith.constant 0 : i32
    %cond3A_23 = arith.cmpi ne, %convert_element_type3A_21, %cond3A_22 : i32
    scf.if %cond3A_23 {
      %get3A_107 = arith.constant 0 : index
      %get3A_108 = arith.constant 0 : index
      %get3A_109 = vector.load %arg2[%get3A_107, %get3A_108] : memref<12800x64xf32, #tpu.memory_space<vmem>>, vector<12800x64xf32>
      %transpose3A = tpu.transpose %get3A_109, [1, 0] : vector<12800x64xf32> -> vector<64x12800xf32>
      %iota3A = tpu.iota {dimensions = array<i32: 1>} : vector<1x12800xi32>
      %mul3A_110 = arith.constant 12800 : i32
      %mul3A_111 = arith.muli %arg1, %mul3A_110 : i32
      %sub3A = arith.constant 100000 : i32
      %sub3A_112 = arith.subi %sub3A, %mul3A_111 : i32
      %lt3A = vector.broadcast %sub3A_112 : i32 to vector<1x12800xi32>
      %lt3A_113 = arith.cmpi slt, %iota3A, %lt3A : vector<1x12800xi32>
      %jit3A = arith.constant 1.000000e+04 : f32
      %broadcast_in_dim3A = vector.shape_cast %lt3A_113 : vector<1x12800xi1> to vector<1x12800xi1>
      %broadcast_in_dim3A_114 = vector.broadcast %broadcast_in_dim3A : vector<1x12800xi1> to vector<64x12800xi1>
      %broadcast_in_dim3A_115 = vector.broadcast %jit3A : f32 to vector<64x12800xf32>
      %select_n3A = arith.select %broadcast_in_dim3A_114, %transpose3A, %broadcast_in_dim3A_115 : vector<64x12800xi1>, vector<64x12800xf32>
      %mul3A_116 = arith.constant 12800 : i32
      %mul3A_117 = arith.muli %arg1, %mul3A_116 : i32
      %swap3A = arith.constant 0 : index
      %swap3A_118 = arith.index_cast %mul3A_117 : i32 to index
      %swap3A_119 = vector.load %arg6[%swap3A, %swap3A_118] : memref<64x102400xf32, #tpu.memory_space<vmem>>, vector<64x12800xf32>
      tpu.vector_store %arg6[%swap3A, %swap3A_118], %select_n3A {strides = array<i32>} : memref<64x102400xf32, #tpu.memory_space<vmem>>, vector<64x12800xf32>,
      %mul3A_120 = arith.mulf %select_n3A, %select_n3A : vector<64x12800xf32>
      %reduce_sum3A = arith.constant dense<0.000000e+00> : vector<12800xf32>
      %reduce_sum3A_121 = vector.multi_reduction <add>, %mul3A_120, %reduce_sum3A [0] : vector<64x12800xf32> to vector<12800xf32>
      %broadcast_in_dim3A_122 = vector.shape_cast %reduce_sum3A_121 : vector<12800xf32> to vector<1x12800xf32>
      %sub3A_123 = arith.constant 1.322500e+02 : f32
      %sub3A_124 = vector.broadcast %sub3A_123 : f32 to vector<1x12800xf32>
      %sub3A_125 = arith.subf %sub3A_124, %broadcast_in_dim3A_122 : vector<1x12800xf32>
      %mul3A_126 = arith.constant 12800 : i32
      %mul3A_127 = arith.muli %arg1, %mul3A_126 : i32
      %swap3A_128 = arith.constant 0 : index
      %swap3A_129 = arith.index_cast %mul3A_127 : i32 to index
      %swap3A_130 = vector.load %arg7[%swap3A_128, %swap3A_129] : memref<1x102400xf32, #tpu.memory_space<vmem>>, vector<1x12800xf32>
      tpu.vector_store %arg7[%swap3A_128, %swap3A_129], %sub3A_125 {strides = array<i32>} : memref<1x102400xf32, #tpu.memory_space<vmem>>, vector<1x12800xf32>,
    } else {
    }
    %eq3A_24 = arith.constant 0 : i32
    %eq3A_25 = arith.cmpi eq, %arg0, %eq3A_24 : i32
    %eq3A_26 = arith.constant 0 : i32
    %eq3A_27 = arith.cmpi eq, %arg1, %eq3A_26 : i32
    %and3A_28 = arith.andi %eq3A_25, %eq3A_27 : i1
    %convert_element_type3A_29 = arith.extui %and3A_28 : i1 to i32
    %cond3A_30 = arith.constant 0 : i32
    %cond3A_31 = arith.cmpi ne, %convert_element_type3A_29, %cond3A_30 : i32
    scf.if %cond3A_31 {
      %get3A_107 = arith.constant 0 : index
      %get3A_108 = arith.constant 0 : index
      %get3A_109 = vector.load %arg2[%get3A_107, %get3A_108] : memref<12800x64xf32, #tpu.memory_space<vmem>>, vector<12800x64xf32>
      %slice3A = vector.extract_strided_slice %get3A_109 {offsets = [10316, 0], sizes = [1, 64], strides = [1, 1]} : vector<12800x64xf32> to vector<1x64xf32>
      %swap3A = arith.constant 2 : index
      %swap3A_110 = arith.constant 0 : index
      %swap3A_111 = vector.load %arg8[%swap3A, %swap3A_110] : memref<64x64xf32, #tpu.memory_space<vmem>>, vector<1x64xf32>
      tpu.vector_store %arg8[%swap3A, %swap3A_110], %slice3A {strides = array<i32>} : memref<64x64xf32, #tpu.memory_space<vmem>>, vector<1x64xf32>,
      %slice3A_112 = vector.extract_strided_slice %get3A_109 {offsets = [5547, 0], sizes = [1, 64], strides = [1, 1]} : vector<12800x64xf32> to vector<1x64xf32>
      %swap3A_113 = arith.constant 5 : index
      %swap3A_114 = arith.constant 0 : index
      %swap3A_115 = vector.load %arg8[%swap3A_113, %swap3A_114] : memref<64x64xf32, #tpu.memory_space<vmem>>, vector<1x64xf32>
      tpu.vector_store %arg8[%swap3A_113, %swap3A_114], %slice3A_112 {strides = array<i32>} : memref<64x64xf32, #tpu.memory_space<vmem>>, vector<1x64xf32>,
      %slice3A_116 = vector.extract_strided_slice %get3A_109 {offsets = [1315, 0], sizes = [1, 64], strides = [1, 1]} : vector<12800x64xf32> to vector<1x64xf32>
      %swap3A_117 = arith.constant 19 : index
      %swap3A_118 = arith.constant 0 : index
      %swap3A_119 = vector.load %arg8[%swap3A_117, %swap3A_118] : memref<64x64xf32, #tpu.memory_space<vmem>>, vector<1x64xf32>
      tpu.vector_store %arg8[%swap3A_117, %swap3A_118], %slice3A_116 {strides = array<i32>} : memref<64x64xf32, #tpu.memory_space<vmem>>, vector<1x64xf32>,
      %slice3A_120 = vector.extract_strided_slice %get3A_109 {offsets = [4524, 0], sizes = [1, 64], strides = [1, 1]} : vector<12800x64xf32> to vector<1x64xf32>
      %swap3A_121 = arith.constant 32 : index
      %swap3A_122 = arith.constant 0 : index
      %swap3A_123 = vector.load %arg8[%swap3A_121, %swap3A_122] : memref<64x64xf32, #tpu.memory_space<vmem>>, vector<1x64xf32>
      tpu.vector_store %arg8[%swap3A_121, %swap3A_122], %slice3A_120 {strides = array<i32>} : memref<64x64xf32, #tpu.memory_space<vmem>>, vector<1x64xf32>,
      %slice3A_124 = vector.extract_strided_slice %get3A_109 {offsets = [11867, 0], sizes = [1, 64], strides = [1, 1]} : vector<12800x64xf32> to vector<1x64xf32>
      %swap3A_125 = arith.constant 33 : index
      %swap3A_126 = arith.constant 0 : index
      %swap3A_127 = vector.load %arg8[%swap3A_125, %swap3A_126] : memref<64x64xf32, #tpu.memory_space<vmem>>, vector<1x64xf32>
      tpu.vector_store %arg8[%swap3A_125, %swap3A_126], %slice3A_124 {strides = array<i32>} : memref<64x64xf32, #tpu.memory_space<vmem>>, vector<1x64xf32>,
      %slice3A_128 = vector.extract_strided_slice %get3A_109 {offsets = [10117, 0], sizes = [1, 64], strides = [1, 1]} : vector<12800x64xf32> to vector<1x64xf32>
      %swap3A_129 = arith.constant 37 : index
      %swap3A_130 = arith.constant 0 : index
      %swap3A_131 = vector.load %arg8[%swap3A_129, %swap3A_130] : memref<64x64xf32, #tpu.memory_space<vmem>>, vector<1x64xf32>
      tpu.vector_store %arg8[%swap3A_129, %swap3A_130], %slice3A_128 {strides = array<i32>} : memref<64x64xf32, #tpu.memory_space<vmem>>, vector<1x64xf32>,
      %slice3A_132 = vector.extract_strided_slice %get3A_109 {offsets = [3516, 0], sizes = [1, 64], strides = [1, 1]} : vector<12800x64xf32> to vector<1x64xf32>
      %swap3A_133 = arith.constant 41 : index
      %swap3A_134 = arith.constant 0 : index
      %swap3A_135 = vector.load %arg8[%swap3A_133, %swap3A_134] : memref<64x64xf32, #tpu.memory_space<vmem>>, vector<1x64xf32>
      tpu.vector_store %arg8[%swap3A_133, %swap3A_134], %slice3A_132 {strides = array<i32>} : memref<64x64xf32, #tpu.memory_space<vmem>>, vector<1x64xf32>,
      %slice3A_136 = vector.extract_strided_slice %get3A_109 {offsets = [3005, 0], sizes = [1, 64], strides = [1, 1]} : vector<12800x64xf32> to vector<1x64xf32>
      %swap3A_137 = arith.constant 52 : index
      %swap3A_138 = arith.constant 0 : index
      %swap3A_139 = vector.load %arg8[%swap3A_137, %swap3A_138] : memref<64x64xf32, #tpu.memory_space<vmem>>, vector<1x64xf32>
      tpu.vector_store %arg8[%swap3A_137, %swap3A_138], %slice3A_136 {strides = array<i32>} : memref<64x64xf32, #tpu.memory_space<vmem>>, vector<1x64xf32>,
      %slice3A_140 = vector.extract_strided_slice %get3A_109 {offsets = [7642, 0], sizes = [1, 64], strides = [1, 1]} : vector<12800x64xf32> to vector<1x64xf32>
      %swap3A_141 = arith.constant 55 : index
      %swap3A_142 = arith.constant 0 : index
      %swap3A_143 = vector.load %arg8[%swap3A_141, %swap3A_142] : memref<64x64xf32, #tpu.memory_space<vmem>>, vector<1x64xf32>
      tpu.vector_store %arg8[%swap3A_141, %swap3A_142], %slice3A_140 {strides = array<i32>} : memref<64x64xf32, #tpu.memory_space<vmem>>, vector<1x64xf32>,
    } else {
    }
    %eq3A_32 = arith.constant 0 : i32
    %eq3A_33 = arith.cmpi eq, %arg0, %eq3A_32 : i32
    %eq3A_34 = arith.constant 1 : i32
    %eq3A_35 = arith.cmpi eq, %arg1, %eq3A_34 : i32
    %and3A_36 = arith.andi %eq3A_33, %eq3A_35 : i1
    %convert_element_type3A_37 = arith.extui %and3A_36 : i1 to i32
    %cond3A_38 = arith.constant 0 : i32
    %cond3A_39 = arith.cmpi ne, %convert_element_type3A_37, %cond3A_38 : i32
    scf.if %cond3A_39 {
      %get3A_107 = arith.constant 0 : index
      %get3A_108 = arith.constant 0 : index
      %get3A_109 = vector.load %arg2[%get3A_107, %get3A_108] : memref<12800x64xf32, #tpu.memory_space<vmem>>, vector<12800x64xf32>
      %slice3A = vector.extract_strided_slice %get3A_109 {offsets = [1181, 0], sizes = [1, 64], strides = [1, 1]} : vector<12800x64xf32> to vector<1x64xf32>
      %swap3A = arith.constant 0 : index
      %swap3A_110 = arith.constant 0 : index
      %swap3A_111 = vector.load %arg8[%swap3A, %swap3A_110] : memref<64x64xf32, #tpu.memory_space<vmem>>, vector<1x64xf32>
      tpu.vector_store %arg8[%swap3A, %swap3A_110], %slice3A {strides = array<i32>} : memref<64x64xf32, #tpu.memory_space<vmem>>, vector<1x64xf32>,
      %slice3A_112 = vector.extract_strided_slice %get3A_109 {offsets = [8054, 0], sizes = [1, 64], strides = [1, 1]} : vector<12800x64xf32> to vector<1x64xf32>
      %swap3A_113 = arith.constant 10 : index
      %swap3A_114 = arith.constant 0 : index
      %swap3A_115 = vector.load %arg8[%swap3A_113, %swap3A_114] : memref<64x64xf32, #tpu.memory_space<vmem>>, vector<1x64xf32>
      tpu.vector_store %arg8[%swap3A_113, %swap3A_114], %slice3A_112 {strides = array<i32>} : memref<64x64xf32, #tpu.memory_space<vmem>>, vector<1x64xf32>,
      %slice3A_116 = vector.extract_strided_slice %get3A_109 {offsets = [4336, 0], sizes = [1, 64], strides = [1, 1]} : vector<12800x64xf32> to vector<1x64xf32>
      %swap3A_117 = arith.constant 17 : index
      %swap3A_118 = arith.constant 0 : index
      %swap3A_119 = vector.load %arg8[%swap3A_117, %swap3A_118] : memref<64x64xf32, #tpu.memory_space<vmem>>, vector<1x64xf32>
      tpu.vector_store %arg8[%swap3A_117, %swap3A_118], %slice3A_116 {strides = array<i32>} : memref<64x64xf32, #tpu.memory_space<vmem>>, vector<1x64xf32>,
      %slice3A_120 = vector.extract_strided_slice %get3A_109 {offsets = [6226, 0], sizes = [1, 64], strides = [1, 1]} : vector<12800x64xf32> to vector<1x64xf32>
      %swap3A_121 = arith.constant 25 : index
      %swap3A_122 = arith.constant 0 : index
      %swap3A_123 = vector.load %arg8[%swap3A_121, %swap3A_122] : memref<64x64xf32, #tpu.memory_space<vmem>>, vector<1x64xf32>
      tpu.vector_store %arg8[%swap3A_121, %swap3A_122], %slice3A_120 {strides = array<i32>} : memref<64x64xf32, #tpu.memory_space<vmem>>, vector<1x64xf32>,
      %slice3A_124 = vector.extract_strided_slice %get3A_109 {offsets = [11094, 0], sizes = [1, 64], strides = [1, 1]} : vector<12800x64xf32> to vector<1x64xf32>
      %swap3A_125 = arith.constant 29 : index
      %swap3A_126 = arith.constant 0 : index
      %swap3A_127 = vector.load %arg8[%swap3A_125, %swap3A_126] : memref<64x64xf32, #tpu.memory_space<vmem>>, vector<1x64xf32>
      tpu.vector_store %arg8[%swap3A_125, %swap3A_126], %slice3A_124 {strides = array<i32>} : memref<64x64xf32, #tpu.memory_space<vmem>>, vector<1x64xf32>,
      %slice3A_128 = vector.extract_strided_slice %get3A_109 {offsets = [4276, 0], sizes = [1, 64], strides = [1, 1]} : vector<12800x64xf32> to vector<1x64xf32>
      %swap3A_129 = arith.constant 34 : index
      %swap3A_130 = arith.constant 0 : index
      %swap3A_131 = vector.load %arg8[%swap3A_129, %swap3A_130] : memref<64x64xf32, #tpu.memory_space<vmem>>, vector<1x64xf32>
      tpu.vector_store %arg8[%swap3A_129, %swap3A_130], %slice3A_128 {strides = array<i32>} : memref<64x64xf32, #tpu.memory_space<vmem>>, vector<1x64xf32>,
      %slice3A_132 = vector.extract_strided_slice %get3A_109 {offsets = [12475, 0], sizes = [1, 64], strides = [1, 1]} : vector<12800x64xf32> to vector<1x64xf32>
      %swap3A_133 = arith.constant 40 : index
      %swap3A_134 = arith.constant 0 : index
      %swap3A_135 = vector.load %arg8[%swap3A_133, %swap3A_134] : memref<64x64xf32, #tpu.memory_space<vmem>>, vector<1x64xf32>
      tpu.vector_store %arg8[%swap3A_133, %swap3A_134], %slice3A_132 {strides = array<i32>} : memref<64x64xf32, #tpu.memory_space<vmem>>, vector<1x64xf32>,
      %slice3A_136 = vector.extract_strided_slice %get3A_109 {offsets = [7315, 0], sizes = [1, 64], strides = [1, 1]} : vector<12800x64xf32> to vector<1x64xf32>
      %swap3A_137 = arith.constant 54 : index
      %swap3A_138 = arith.constant 0 : index
      %swap3A_139 = vector.load %arg8[%swap3A_137, %swap3A_138] : memref<64x64xf32, #tpu.memory_space<vmem>>, vector<1x64xf32>
      tpu.vector_store %arg8[%swap3A_137, %swap3A_138], %slice3A_136 {strides = array<i32>} : memref<64x64xf32, #tpu.memory_space<vmem>>, vector<1x64xf32>,
    } else {
    }
    %eq3A_40 = arith.constant 0 : i32
    %eq3A_41 = arith.cmpi eq, %arg0, %eq3A_40 : i32
    %eq3A_42 = arith.constant 2 : i32
    %eq3A_43 = arith.cmpi eq, %arg1, %eq3A_42 : i32
    %and3A_44 = arith.andi %eq3A_41, %eq3A_43 : i1
    %convert_element_type3A_45 = arith.extui %and3A_44 : i1 to i32
    %cond3A_46 = arith.constant 0 : i32
    %cond3A_47 = arith.cmpi ne, %convert_element_type3A_45, %cond3A_46 : i32
    scf.if %cond3A_47 {
      %get3A_107 = arith.constant 0 : index
      %get3A_108 = arith.constant 0 : index
      %get3A_109 = vector.load %arg2[%get3A_107, %get3A_108] : memref<12800x64xf32, #tpu.memory_space<vmem>>, vector<12800x64xf32>
      %slice3A = vector.extract_strided_slice %get3A_109 {offsets = [7798, 0], sizes = [1, 64], strides = [1, 1]} : vector<12800x64xf32> to vector<1x64xf32>
      %swap3A = arith.constant 1 : index
      %swap3A_110 = arith.constant 0 : index
      %swap3A_111 = vector.load %arg8[%swap3A, %swap3A_110] : memref<64x64xf32, #tpu.memory_space<vmem>>, vector<1x64xf32>
      tpu.vector_store %arg8[%swap3A, %swap3A_110], %slice3A {strides = array<i32>} : memref<64x64xf32, #tpu.memory_space<vmem>>, vector<1x64xf32>,
      %slice3A_112 = vector.extract_strided_slice %get3A_109 {offsets = [4527, 0], sizes = [1, 64], strides = [1, 1]} : vector<12800x64xf32> to vector<1x64xf32>
      %swap3A_113 = arith.constant 3 : index
      %swap3A_114 = arith.constant 0 : index
      %swap3A_115 = vector.load %arg8[%swap3A_113, %swap3A_114] : memref<64x64xf32, #tpu.memory_space<vmem>>, vector<1x64xf32>
      tpu.vector_store %arg8[%swap3A_113, %swap3A_114], %slice3A_112 {strides = array<i32>} : memref<64x64xf32, #tpu.memory_space<vmem>>, vector<1x64xf32>,
      %slice3A_116 = vector.extract_strided_slice %get3A_109 {offsets = [11249, 0], sizes = [1, 64], strides = [1, 1]} : vector<12800x64xf32> to vector<1x64xf32>
      %swap3A_117 = arith.constant 7 : index
      %swap3A_118 = arith.constant 0 : index
      %swap3A_119 = vector.load %arg8[%swap3A_117, %swap3A_118] : memref<64x64xf32, #tpu.memory_space<vmem>>, vector<1x64xf32>
      tpu.vector_store %arg8[%swap3A_117, %swap3A_118], %slice3A_116 {strides = array<i32>} : memref<64x64xf32, #tpu.memory_space<vmem>>, vector<1x64xf32>,
      %slice3A_120 = vector.extract_strided_slice %get3A_109 {offsets = [4866, 0], sizes = [1, 64], strides = [1, 1]} : vector<12800x64xf32> to vector<1x64xf32>
      %swap3A_121 = arith.constant 13 : index
      %swap3A_122 = arith.constant 0 : index
      %swap3A_123 = vector.load %arg8[%swap3A_121, %swap3A_122] : memref<64x64xf32, #tpu.memory_space<vmem>>, vector<1x64xf32>
      tpu.vector_store %arg8[%swap3A_121, %swap3A_122], %slice3A_120 {strides = array<i32>} : memref<64x64xf32, #tpu.memory_space<vmem>>, vector<1x64xf32>,
      %slice3A_124 = vector.extract_strided_slice %get3A_109 {offsets = [6712, 0], sizes = [1, 64], strides = [1, 1]} : vector<12800x64xf32> to vector<1x64xf32>
      %swap3A_125 = arith.constant 15 : index
      %swap3A_126 = arith.constant 0 : index
      %swap3A_127 = vector.load %arg8[%swap3A_125, %swap3A_126] : memref<64x64xf32, #tpu.memory_space<vmem>>, vector<1x64xf32>
      tpu.vector_store %arg8[%swap3A_125, %swap3A_126], %slice3A_124 {strides = array<i32>} : memref<64x64xf32, #tpu.memory_space<vmem>>, vector<1x64xf32>,
      %slice3A_128 = vector.extract_strided_slice %get3A_109 {offsets = [1583, 0], sizes = [1, 64], strides = [1, 1]} : vector<12800x64xf32> to vector<1x64xf32>
      %swap3A_129 = arith.constant 16 : index
      %swap3A_130 = arith.constant 0 : index
      %swap3A_131 = vector.load %arg8[%swap3A_129, %swap3A_130] : memref<64x64xf32, #tpu.memory_space<vmem>>, vector<1x64xf32>
      tpu.vector_store %arg8[%swap3A_129, %swap3A_130], %slice3A_128 {strides = array<i32>} : memref<64x64xf32, #tpu.memory_space<vmem>>, vector<1x64xf32>,
      %slice3A_132 = vector.extract_strided_slice %get3A_109 {offsets = [11977, 0], sizes = [1, 64], strides = [1, 1]} : vector<12800x64xf32> to vector<1x64xf32>
      %swap3A_133 = arith.constant 24 : index
      %swap3A_134 = arith.constant 0 : index
      %swap3A_135 = vector.load %arg8[%swap3A_133, %swap3A_134] : memref<64x64xf32, #tpu.memory_space<vmem>>, vector<1x64xf32>
      tpu.vector_store %arg8[%swap3A_133, %swap3A_134], %slice3A_132 {strides = array<i32>} : memref<64x64xf32, #tpu.memory_space<vmem>>, vector<1x64xf32>,
      %slice3A_136 = vector.extract_strided_slice %get3A_109 {offsets = [3738, 0], sizes = [1, 64], strides = [1, 1]} : vector<12800x64xf32> to vector<1x64xf32>
      %swap3A_137 = arith.constant 30 : index
      %swap3A_138 = arith.constant 0 : index
      %swap3A_139 = vector.load %arg8[%swap3A_137, %swap3A_138] : memref<64x64xf32, #tpu.memory_space<vmem>>, vector<1x64xf32>
      tpu.vector_store %arg8[%swap3A_137, %swap3A_138], %slice3A_136 {strides = array<i32>} : memref<64x64xf32, #tpu.memory_space<vmem>>, vector<1x64xf32>,
      %slice3A_140 = vector.extract_strided_slice %get3A_109 {offsets = [8737, 0], sizes = [1, 64], strides = [1, 1]} : vector<12800x64xf32> to vector<1x64xf32>
      %swap3A_141 = arith.constant 31 : index
      %swap3A_142 = arith.constant 0 : index
      %swap3A_143 = vector.load %arg8[%swap3A_141, %swap3A_142] : memref<64x64xf32, #tpu.memory_space<vmem>>, vector<1x64xf32>
      tpu.vector_store %arg8[%swap3A_141, %swap3A_142], %slice3A_140 {strides = array<i32>} : memref<64x64xf32, #tpu.memory_space<vmem>>, vector<1x64xf32>,
      %slice3A_144 = vector.extract_strided_slice %get3A_109 {offsets = [2484, 0], sizes = [1, 64], strides = [1, 1]} : vector<12800x64xf32> to vector<1x64xf32>
      %swap3A_145 = arith.constant 36 : index
      %swap3A_146 = arith.constant 0 : index
      %swap3A_147 = vector.load %arg8[%swap3A_145, %swap3A_146] : memref<64x64xf32, #tpu.memory_space<vmem>>, vector<1x64xf32>
      tpu.vector_store %arg8[%swap3A_145, %swap3A_146], %slice3A_144 {strides = array<i32>} : memref<64x64xf32, #tpu.memory_space<vmem>>, vector<1x64xf32>,
      %slice3A_148 = vector.extract_strided_slice %get3A_109 {offsets = [5242, 0], sizes = [1, 64], strides = [1, 1]} : vector<12800x64xf32> to vector<1x64xf32>
      %swap3A_149 = arith.constant 44 : index
      %swap3A_150 = arith.constant 0 : index
      %swap3A_151 = vector.load %arg8[%swap3A_149, %swap3A_150] : memref<64x64xf32, #tpu.memory_space<vmem>>, vector<1x64xf32>
      tpu.vector_store %arg8[%swap3A_149, %swap3A_150], %slice3A_148 {strides = array<i32>} : memref<64x64xf32, #tpu.memory_space<vmem>>, vector<1x64xf32>,
      %slice3A_152 = vector.extract_strided_slice %get3A_109 {offsets = [9531, 0], sizes = [1, 64], strides = [1, 1]} : vector<12800x64xf32> to vector<1x64xf32>
      %swap3A_153 = arith.constant 61 : index
      %swap3A_154 = arith.constant 0 : index
      %swap3A_155 = vector.load %arg8[%swap3A_153, %swap3A_154] : memref<64x64xf32, #tpu.memory_space<vmem>>, vector<1x64xf32>
      tpu.vector_store %arg8[%swap3A_153, %swap3A_154], %slice3A_152 {strides = array<i32>} : memref<64x64xf32, #tpu.memory_space<vmem>>, vector<1x64xf32>,
      %slice3A_156 = vector.extract_strided_slice %get3A_109 {offsets = [268, 0], sizes = [1, 64], strides = [1, 1]} : vector<12800x64xf32> to vector<1x64xf32>
      %swap3A_157 = arith.constant 63 : index
      %swap3A_158 = arith.constant 0 : index
      %swap3A_159 = vector.load %arg8[%swap3A_157, %swap3A_158] : memref<64x64xf32, #tpu.memory_space<vmem>>, vector<1x64xf32>
      tpu.vector_store %arg8[%swap3A_157, %swap3A_158], %slice3A_156 {strides = array<i32>} : memref<64x64xf32, #tpu.memory_space<vmem>>, vector<1x64xf32>,
    } else {
    }
    %eq3A_48 = arith.constant 0 : i32
    %eq3A_49 = arith.cmpi eq, %arg0, %eq3A_48 : i32
    %eq3A_50 = arith.constant 3 : i32
    %eq3A_51 = arith.cmpi eq, %arg1, %eq3A_50 : i32
    %and3A_52 = arith.andi %eq3A_49, %eq3A_51 : i1
    %convert_element_type3A_53 = arith.extui %and3A_52 : i1 to i32
    %cond3A_54 = arith.constant 0 : i32
    %cond3A_55 = arith.cmpi ne, %convert_element_type3A_53, %cond3A_54 : i32
    scf.if %cond3A_55 {
      %get3A_107 = arith.constant 0 : index
      %get3A_108 = arith.constant 0 : index
      %get3A_109 = vector.load %arg2[%get3A_107, %get3A_108] : memref<12800x64xf32, #tpu.memory_space<vmem>>, vector<12800x64xf32>
      %slice3A = vector.extract_strided_slice %get3A_109 {offsets = [12441, 0], sizes = [1, 64], strides = [1, 1]} : vector<12800x64xf32> to vector<1x64xf32>
      %swap3A = arith.constant 4 : index
      %swap3A_110 = arith.constant 0 : index
      %swap3A_111 = vector.load %arg8[%swap3A, %swap3A_110] : memref<64x64xf32, #tpu.memory_space<vmem>>, vector<1x64xf32>
      tpu.vector_store %arg8[%swap3A, %swap3A_110], %slice3A {strides = array<i32>} : memref<64x64xf32, #tpu.memory_space<vmem>>, vector<1x64xf32>,
      %slice3A_112 = vector.extract_strided_slice %get3A_109 {offsets = [7617, 0], sizes = [1, 64], strides = [1, 1]} : vector<12800x64xf32> to vector<1x64xf32>
      %swap3A_113 = arith.constant 6 : index
      %swap3A_114 = arith.constant 0 : index
      %swap3A_115 = vector.load %arg8[%swap3A_113, %swap3A_114] : memref<64x64xf32, #tpu.memory_space<vmem>>, vector<1x64xf32>
      tpu.vector_store %arg8[%swap3A_113, %swap3A_114], %slice3A_112 {strides = array<i32>} : memref<64x64xf32, #tpu.memory_space<vmem>>, vector<1x64xf32>,
      %slice3A_116 = vector.extract_strided_slice %get3A_109 {offsets = [5799, 0], sizes = [1, 64], strides = [1, 1]} : vector<12800x64xf32> to vector<1x64xf32>
      %swap3A_117 = arith.constant 8 : index
      %swap3A_118 = arith.constant 0 : index
      %swap3A_119 = vector.load %arg8[%swap3A_117, %swap3A_118] : memref<64x64xf32, #tpu.memory_space<vmem>>, vector<1x64xf32>
      tpu.vector_store %arg8[%swap3A_117, %swap3A_118], %slice3A_116 {strides = array<i32>} : memref<64x64xf32, #tpu.memory_space<vmem>>, vector<1x64xf32>,
      %slice3A_120 = vector.extract_strided_slice %get3A_109 {offsets = [7777, 0], sizes = [1, 64], strides = [1, 1]} : vector<12800x64xf32> to vector<1x64xf32>
      %swap3A_121 = arith.constant 9 : index
      %swap3A_122 = arith.constant 0 : index
      %swap3A_123 = vector.load %arg8[%swap3A_121, %swap3A_122] : memref<64x64xf32, #tpu.memory_space<vmem>>, vector<1x64xf32>
      tpu.vector_store %arg8[%swap3A_121, %swap3A_122], %slice3A_120 {strides = array<i32>} : memref<64x64xf32, #tpu.memory_space<vmem>>, vector<1x64xf32>,
      %slice3A_124 = vector.extract_strided_slice %get3A_109 {offsets = [8139, 0], sizes = [1, 64], strides = [1, 1]} : vector<12800x64xf32> to vector<1x64xf32>
      %swap3A_125 = arith.constant 21 : index
      %swap3A_126 = arith.constant 0 : index
      %swap3A_127 = vector.load %arg8[%swap3A_125, %swap3A_126] : memref<64x64xf32, #tpu.memory_space<vmem>>, vector<1x64xf32>
      tpu.vector_store %arg8[%swap3A_125, %swap3A_126], %slice3A_124 {strides = array<i32>} : memref<64x64xf32, #tpu.memory_space<vmem>>, vector<1x64xf32>,
      %slice3A_128 = vector.extract_strided_slice %get3A_109 {offsets = [5750, 0], sizes = [1, 64], strides = [1, 1]} : vector<12800x64xf32> to vector<1x64xf32>
      %swap3A_129 = arith.constant 42 : index
      %swap3A_130 = arith.constant 0 : index
      %swap3A_131 = vector.load %arg8[%swap3A_129, %swap3A_130] : memref<64x64xf32, #tpu.memory_space<vmem>>, vector<1x64xf32>
      tpu.vector_store %arg8[%swap3A_129, %swap3A_130], %slice3A_128 {strides = array<i32>} : memref<64x64xf32, #tpu.memory_space<vmem>>, vector<1x64xf32>,
      %slice3A_132 = vector.extract_strided_slice %get3A_109 {offsets = [3337, 0], sizes = [1, 64], strides = [1, 1]} : vector<12800x64xf32> to vector<1x64xf32>
      %swap3A_133 = arith.constant 50 : index
      %swap3A_134 = arith.constant 0 : index
      %swap3A_135 = vector.load %arg8[%swap3A_133, %swap3A_134] : memref<64x64xf32, #tpu.memory_space<vmem>>, vector<1x64xf32>
      tpu.vector_store %arg8[%swap3A_133, %swap3A_134], %slice3A_132 {strides = array<i32>} : memref<64x64xf32, #tpu.memory_space<vmem>>, vector<1x64xf32>,
      %slice3A_136 = vector.extract_strided_slice %get3A_109 {offsets = [9061, 0], sizes = [1, 64], strides = [1, 1]} : vector<12800x64xf32> to vector<1x64xf32>
      %swap3A_137 = arith.constant 53 : index
      %swap3A_138 = arith.constant 0 : index
      %swap3A_139 = vector.load %arg8[%swap3A_137, %swap3A_138] : memref<64x64xf32, #tpu.memory_space<vmem>>, vector<1x64xf32>
      tpu.vector_store %arg8[%swap3A_137, %swap3A_138], %slice3A_136 {strides = array<i32>} : memref<64x64xf32, #tpu.memory_space<vmem>>, vector<1x64xf32>,
      %slice3A_140 = vector.extract_strided_slice %get3A_109 {offsets = [3498, 0], sizes = [1, 64], strides = [1, 1]} : vector<12800x64xf32> to vector<1x64xf32>
      %swap3A_141 = arith.constant 59 : index
      %swap3A_142 = arith.constant 0 : index
      %swap3A_143 = vector.load %arg8[%swap3A_141, %swap3A_142] : memref<64x64xf32, #tpu.memory_space<vmem>>, vector<1x64xf32>
      tpu.vector_store %arg8[%swap3A_141, %swap3A_142], %slice3A_140 {strides = array<i32>} : memref<64x64xf32, #tpu.memory_space<vmem>>, vector<1x64xf32>,
      %slice3A_144 = vector.extract_strided_slice %get3A_109 {offsets = [8218, 0], sizes = [1, 64], strides = [1, 1]} : vector<12800x64xf32> to vector<1x64xf32>
      %swap3A_145 = arith.constant 62 : index
      %swap3A_146 = arith.constant 0 : index
      %swap3A_147 = vector.load %arg8[%swap3A_145, %swap3A_146] : memref<64x64xf32, #tpu.memory_space<vmem>>, vector<1x64xf32>
      tpu.vector_store %arg8[%swap3A_145, %swap3A_146], %slice3A_144 {strides = array<i32>} : memref<64x64xf32, #tpu.memory_space<vmem>>, vector<1x64xf32>,
    } else {
    }
    %eq3A_56 = arith.constant 0 : i32
    %eq3A_57 = arith.cmpi eq, %arg0, %eq3A_56 : i32
    %eq3A_58 = arith.constant 4 : i32
    %eq3A_59 = arith.cmpi eq, %arg1, %eq3A_58 : i32
    %and3A_60 = arith.andi %eq3A_57, %eq3A_59 : i1
    %convert_element_type3A_61 = arith.extui %and3A_60 : i1 to i32
    %cond3A_62 = arith.constant 0 : i32
    %cond3A_63 = arith.cmpi ne, %convert_element_type3A_61, %cond3A_62 : i32
    scf.if %cond3A_63 {
      %get3A_107 = arith.constant 0 : index
      %get3A_108 = arith.constant 0 : index
      %get3A_109 = vector.load %arg2[%get3A_107, %get3A_108] : memref<12800x64xf32, #tpu.memory_space<vmem>>, vector<12800x64xf32>
      %slice3A = vector.extract_strided_slice %get3A_109 {offsets = [6247, 0], sizes = [1, 64], strides = [1, 1]} : vector<12800x64xf32> to vector<1x64xf32>
      %swap3A = arith.constant 22 : index
      %swap3A_110 = arith.constant 0 : index
      %swap3A_111 = vector.load %arg8[%swap3A, %swap3A_110] : memref<64x64xf32, #tpu.memory_space<vmem>>, vector<1x64xf32>
      tpu.vector_store %arg8[%swap3A, %swap3A_110], %slice3A {strides = array<i32>} : memref<64x64xf32, #tpu.memory_space<vmem>>, vector<1x64xf32>,
      %slice3A_112 = vector.extract_strided_slice %get3A_109 {offsets = [9603, 0], sizes = [1, 64], strides = [1, 1]} : vector<12800x64xf32> to vector<1x64xf32>
      %swap3A_113 = arith.constant 27 : index
      %swap3A_114 = arith.constant 0 : index
      %swap3A_115 = vector.load %arg8[%swap3A_113, %swap3A_114] : memref<64x64xf32, #tpu.memory_space<vmem>>, vector<1x64xf32>
      tpu.vector_store %arg8[%swap3A_113, %swap3A_114], %slice3A_112 {strides = array<i32>} : memref<64x64xf32, #tpu.memory_space<vmem>>, vector<1x64xf32>,
      %slice3A_116 = vector.extract_strided_slice %get3A_109 {offsets = [3091, 0], sizes = [1, 64], strides = [1, 1]} : vector<12800x64xf32> to vector<1x64xf32>
      %swap3A_117 = arith.constant 28 : index
      %swap3A_118 = arith.constant 0 : index
      %swap3A_119 = vector.load %arg8[%swap3A_117, %swap3A_118] : memref<64x64xf32, #tpu.memory_space<vmem>>, vector<1x64xf32>
      tpu.vector_store %arg8[%swap3A_117, %swap3A_118], %slice3A_116 {strides = array<i32>} : memref<64x64xf32, #tpu.memory_space<vmem>>, vector<1x64xf32>,
      %slice3A_120 = vector.extract_strided_slice %get3A_109 {offsets = [11904, 0], sizes = [1, 64], strides = [1, 1]} : vector<12800x64xf32> to vector<1x64xf32>
      %swap3A_121 = arith.constant 35 : index
      %swap3A_122 = arith.constant 0 : index
      %swap3A_123 = vector.load %arg8[%swap3A_121, %swap3A_122] : memref<64x64xf32, #tpu.memory_space<vmem>>, vector<1x64xf32>
      tpu.vector_store %arg8[%swap3A_121, %swap3A_122], %slice3A_120 {strides = array<i32>} : memref<64x64xf32, #tpu.memory_space<vmem>>, vector<1x64xf32>,
      %slice3A_124 = vector.extract_strided_slice %get3A_109 {offsets = [8584, 0], sizes = [1, 64], strides = [1, 1]} : vector<12800x64xf32> to vector<1x64xf32>
      %swap3A_125 = arith.constant 39 : index
      %swap3A_126 = arith.constant 0 : index
      %swap3A_127 = vector.load %arg8[%swap3A_125, %swap3A_126] : memref<64x64xf32, #tpu.memory_space<vmem>>, vector<1x64xf32>
      tpu.vector_store %arg8[%swap3A_125, %swap3A_126], %slice3A_124 {strides = array<i32>} : memref<64x64xf32, #tpu.memory_space<vmem>>, vector<1x64xf32>,
      %slice3A_128 = vector.extract_strided_slice %get3A_109 {offsets = [4476, 0], sizes = [1, 64], strides = [1, 1]} : vector<12800x64xf32> to vector<1x64xf32>
      %swap3A_129 = arith.constant 58 : index
      %swap3A_130 = arith.constant 0 : index
      %swap3A_131 = vector.load %arg8[%swap3A_129, %swap3A_130] : memref<64x64xf32, #tpu.memory_space<vmem>>, vector<1x64xf32>
      tpu.vector_store %arg8[%swap3A_129, %swap3A_130], %slice3A_128 {strides = array<i32>} : memref<64x64xf32, #tpu.memory_space<vmem>>, vector<1x64xf32>,
    } else {
    }
    %eq3A_64 = arith.constant 0 : i32
    %eq3A_65 = arith.cmpi eq, %arg0, %eq3A_64 : i32
    %eq3A_66 = arith.constant 5 : i32
    %eq3A_67 = arith.cmpi eq, %arg1, %eq3A_66 : i32
    %and3A_68 = arith.andi %eq3A_65, %eq3A_67 : i1
    %convert_element_type3A_69 = arith.extui %and3A_68 : i1 to i32
    %cond3A_70 = arith.constant 0 : i32
    %cond3A_71 = arith.cmpi ne, %convert_element_type3A_69, %cond3A_70 : i32
    scf.if %cond3A_71 {
      %get3A_107 = arith.constant 0 : index
      %get3A_108 = arith.constant 0 : index
      %get3A_109 = vector.load %arg2[%get3A_107, %get3A_108] : memref<12800x64xf32, #tpu.memory_space<vmem>>, vector<12800x64xf32>
      %slice3A = vector.extract_strided_slice %get3A_109 {offsets = [11016, 0], sizes = [1, 64], strides = [1, 1]} : vector<12800x64xf32> to vector<1x64xf32>
      %swap3A = arith.constant 18 : index
      %swap3A_110 = arith.constant 0 : index
      %swap3A_111 = vector.load %arg8[%swap3A, %swap3A_110] : memref<64x64xf32, #tpu.memory_space<vmem>>, vector<1x64xf32>
      tpu.vector_store %arg8[%swap3A, %swap3A_110], %slice3A {strides = array<i32>} : memref<64x64xf32, #tpu.memory_space<vmem>>, vector<1x64xf32>,
      %slice3A_112 = vector.extract_strided_slice %get3A_109 {offsets = [5504, 0], sizes = [1, 64], strides = [1, 1]} : vector<12800x64xf32> to vector<1x64xf32>
      %swap3A_113 = arith.constant 23 : index
      %swap3A_114 = arith.constant 0 : index
      %swap3A_115 = vector.load %arg8[%swap3A_113, %swap3A_114] : memref<64x64xf32, #tpu.memory_space<vmem>>, vector<1x64xf32>
      tpu.vector_store %arg8[%swap3A_113, %swap3A_114], %slice3A_112 {strides = array<i32>} : memref<64x64xf32, #tpu.memory_space<vmem>>, vector<1x64xf32>,
      %slice3A_116 = vector.extract_strided_slice %get3A_109 {offsets = [10389, 0], sizes = [1, 64], strides = [1, 1]} : vector<12800x64xf32> to vector<1x64xf32>
      %swap3A_117 = arith.constant 57 : index
      %swap3A_118 = arith.constant 0 : index
      %swap3A_119 = vector.load %arg8[%swap3A_117, %swap3A_118] : memref<64x64xf32, #tpu.memory_space<vmem>>, vector<1x64xf32>
      tpu.vector_store %arg8[%swap3A_117, %swap3A_118], %slice3A_116 {strides = array<i32>} : memref<64x64xf32, #tpu.memory_space<vmem>>, vector<1x64xf32>,
      %slice3A_120 = vector.extract_strided_slice %get3A_109 {offsets = [10412, 0], sizes = [1, 64], strides = [1, 1]} : vector<12800x64xf32> to vector<1x64xf32>
      %swap3A_121 = arith.constant 60 : index
      %swap3A_122 = arith.constant 0 : index
      %swap3A_123 = vector.load %arg8[%swap3A_121, %swap3A_122] : memref<64x64xf32, #tpu.memory_space<vmem>>, vector<1x64xf32>
      tpu.vector_store %arg8[%swap3A_121, %swap3A_122], %slice3A_120 {strides = array<i32>} : memref<64x64xf32, #tpu.memory_space<vmem>>, vector<1x64xf32>,
    } else {
    }
    %eq3A_72 = arith.constant 0 : i32
    %eq3A_73 = arith.cmpi eq, %arg0, %eq3A_72 : i32
    %eq3A_74 = arith.constant 6 : i32
    %eq3A_75 = arith.cmpi eq, %arg1, %eq3A_74 : i32
    %and3A_76 = arith.andi %eq3A_73, %eq3A_75 : i1
    %convert_element_type3A_77 = arith.extui %and3A_76 : i1 to i32
    %cond3A_78 = arith.constant 0 : i32
    %cond3A_79 = arith.cmpi ne, %convert_element_type3A_77, %cond3A_78 : i32
    scf.if %cond3A_79 {
      %get3A_107 = arith.constant 0 : index
      %get3A_108 = arith.constant 0 : index
      %get3A_109 = vector.load %arg2[%get3A_107, %get3A_108] : memref<12800x64xf32, #tpu.memory_space<vmem>>, vector<12800x64xf32>
      %slice3A = vector.extract_strided_slice %get3A_109 {offsets = [579, 0], sizes = [1, 64], strides = [1, 1]} : vector<12800x64xf32> to vector<1x64xf32>
      %swap3A = arith.constant 12 : index
      %swap3A_110 = arith.constant 0 : index
      %swap3A_111 = vector.load %arg8[%swap3A, %swap3A_110] : memref<64x64xf32, #tpu.memory_space<vmem>>, vector<1x64xf32>
      tpu.vector_store %arg8[%swap3A, %swap3A_110], %slice3A {strides = array<i32>} : memref<64x64xf32, #tpu.memory_space<vmem>>, vector<1x64xf32>,
      %slice3A_112 = vector.extract_strided_slice %get3A_109 {offsets = [12675, 0], sizes = [1, 64], strides = [1, 1]} : vector<12800x64xf32> to vector<1x64xf32>
      %swap3A_113 = arith.constant 38 : index
      %swap3A_114 = arith.constant 0 : index
      %swap3A_115 = vector.load %arg8[%swap3A_113, %swap3A_114] : memref<64x64xf32, #tpu.memory_space<vmem>>, vector<1x64xf32>
      tpu.vector_store %arg8[%swap3A_113, %swap3A_114], %slice3A_112 {strides = array<i32>} : memref<64x64xf32, #tpu.memory_space<vmem>>, vector<1x64xf32>,
      %slice3A_116 = vector.extract_strided_slice %get3A_109 {offsets = [10340, 0], sizes = [1, 64], strides = [1, 1]} : vector<12800x64xf32> to vector<1x64xf32>
      %swap3A_117 = arith.constant 43 : index
      %swap3A_118 = arith.constant 0 : index
      %swap3A_119 = vector.load %arg8[%swap3A_117, %swap3A_118] : memref<64x64xf32, #tpu.memory_space<vmem>>, vector<1x64xf32>
      tpu.vector_store %arg8[%swap3A_117, %swap3A_118], %slice3A_116 {strides = array<i32>} : memref<64x64xf32, #tpu.memory_space<vmem>>, vector<1x64xf32>,
      %slice3A_120 = vector.extract_strided_slice %get3A_109 {offsets = [10531, 0], sizes = [1, 64], strides = [1, 1]} : vector<12800x64xf32> to vector<1x64xf32>
      %swap3A_121 = arith.constant 45 : index
      %swap3A_122 = arith.constant 0 : index
      %swap3A_123 = vector.load %arg8[%swap3A_121, %swap3A_122] : memref<64x64xf32, #tpu.memory_space<vmem>>, vector<1x64xf32>
      tpu.vector_store %arg8[%swap3A_121, %swap3A_122], %slice3A_120 {strides = array<i32>} : memref<64x64xf32, #tpu.memory_space<vmem>>, vector<1x64xf32>,
      %slice3A_124 = vector.extract_strided_slice %get3A_109 {offsets = [372, 0], sizes = [1, 64], strides = [1, 1]} : vector<12800x64xf32> to vector<1x64xf32>
      %swap3A_125 = arith.constant 46 : index
      %swap3A_126 = arith.constant 0 : index
      %swap3A_127 = vector.load %arg8[%swap3A_125, %swap3A_126] : memref<64x64xf32, #tpu.memory_space<vmem>>, vector<1x64xf32>
      tpu.vector_store %arg8[%swap3A_125, %swap3A_126], %slice3A_124 {strides = array<i32>} : memref<64x64xf32, #tpu.memory_space<vmem>>, vector<1x64xf32>,
      %slice3A_128 = vector.extract_strided_slice %get3A_109 {offsets = [12014, 0], sizes = [1, 64], strides = [1, 1]} : vector<12800x64xf32> to vector<1x64xf32>
      %swap3A_129 = arith.constant 47 : index
      %swap3A_130 = arith.constant 0 : index
      %swap3A_131 = vector.load %arg8[%swap3A_129, %swap3A_130] : memref<64x64xf32, #tpu.memory_space<vmem>>, vector<1x64xf32>
      tpu.vector_store %arg8[%swap3A_129, %swap3A_130], %slice3A_128 {strides = array<i32>} : memref<64x64xf32, #tpu.memory_space<vmem>>, vector<1x64xf32>,
      %slice3A_132 = vector.extract_strided_slice %get3A_109 {offsets = [10199, 0], sizes = [1, 64], strides = [1, 1]} : vector<12800x64xf32> to vector<1x64xf32>
      %swap3A_133 = arith.constant 48 : index
      %swap3A_134 = arith.constant 0 : index
      %swap3A_135 = vector.load %arg8[%swap3A_133, %swap3A_134] : memref<64x64xf32, #tpu.memory_space<vmem>>, vector<1x64xf32>
      tpu.vector_store %arg8[%swap3A_133, %swap3A_134], %slice3A_132 {strides = array<i32>} : memref<64x64xf32, #tpu.memory_space<vmem>>, vector<1x64xf32>,
      %slice3A_136 = vector.extract_strided_slice %get3A_109 {offsets = [2073, 0], sizes = [1, 64], strides = [1, 1]} : vector<12800x64xf32> to vector<1x64xf32>
      %swap3A_137 = arith.constant 49 : index
      %swap3A_138 = arith.constant 0 : index
      %swap3A_139 = vector.load %arg8[%swap3A_137, %swap3A_138] : memref<64x64xf32, #tpu.memory_space<vmem>>, vector<1x64xf32>
      tpu.vector_store %arg8[%swap3A_137, %swap3A_138], %slice3A_136 {strides = array<i32>} : memref<64x64xf32, #tpu.memory_space<vmem>>, vector<1x64xf32>,
      %slice3A_140 = vector.extract_strided_slice %get3A_109 {offsets = [1964, 0], sizes = [1, 64], strides = [1, 1]} : vector<12800x64xf32> to vector<1x64xf32>
      %swap3A_141 = arith.constant 51 : index
      %swap3A_142 = arith.constant 0 : index
      %swap3A_143 = vector.load %arg8[%swap3A_141, %swap3A_142] : memref<64x64xf32, #tpu.memory_space<vmem>>, vector<1x64xf32>
      tpu.vector_store %arg8[%swap3A_141, %swap3A_142], %slice3A_140 {strides = array<i32>} : memref<64x64xf32, #tpu.memory_space<vmem>>, vector<1x64xf32>,
      %slice3A_144 = vector.extract_strided_slice %get3A_109 {offsets = [4596, 0], sizes = [1, 64], strides = [1, 1]} : vector<12800x64xf32> to vector<1x64xf32>
      %swap3A_145 = arith.constant 56 : index
      %swap3A_146 = arith.constant 0 : index
      %swap3A_147 = vector.load %arg8[%swap3A_145, %swap3A_146] : memref<64x64xf32, #tpu.memory_space<vmem>>, vector<1x64xf32>
      tpu.vector_store %arg8[%swap3A_145, %swap3A_146], %slice3A_144 {strides = array<i32>} : memref<64x64xf32, #tpu.memory_space<vmem>>, vector<1x64xf32>,
    } else {
    }
    %eq3A_80 = arith.constant 0 : i32
    %eq3A_81 = arith.cmpi eq, %arg0, %eq3A_80 : i32
    %eq3A_82 = arith.constant 7 : i32
    %eq3A_83 = arith.cmpi eq, %arg1, %eq3A_82 : i32
    %and3A_84 = arith.andi %eq3A_81, %eq3A_83 : i1
    %convert_element_type3A_85 = arith.extui %and3A_84 : i1 to i32
    %cond3A_86 = arith.constant 0 : i32
    %cond3A_87 = arith.cmpi ne, %convert_element_type3A_85, %cond3A_86 : i32
    scf.if %cond3A_87 {
      %get3A_107 = arith.constant 0 : index
      %get3A_108 = arith.constant 0 : index
      %get3A_109 = vector.load %arg2[%get3A_107, %get3A_108] : memref<12800x64xf32, #tpu.memory_space<vmem>>, vector<12800x64xf32>
      %slice3A = vector.extract_strided_slice %get3A_109 {offsets = [472, 0], sizes = [1, 64], strides = [1, 1]} : vector<12800x64xf32> to vector<1x64xf32>
      %swap3A = arith.constant 11 : index
      %swap3A_110 = arith.constant 0 : index
      %swap3A_111 = vector.load %arg8[%swap3A, %swap3A_110] : memref<64x64xf32, #tpu.memory_space<vmem>>, vector<1x64xf32>
      tpu.vector_store %arg8[%swap3A, %swap3A_110], %slice3A {strides = array<i32>} : memref<64x64xf32, #tpu.memory_space<vmem>>, vector<1x64xf32>,
      %slice3A_112 = vector.extract_strided_slice %get3A_109 {offsets = [9680, 0], sizes = [1, 64], strides = [1, 1]} : vector<12800x64xf32> to vector<1x64xf32>
      %swap3A_113 = arith.constant 14 : index
      %swap3A_114 = arith.constant 0 : index
      %swap3A_115 = vector.load %arg8[%swap3A_113, %swap3A_114] : memref<64x64xf32, #tpu.memory_space<vmem>>, vector<1x64xf32>
      tpu.vector_store %arg8[%swap3A_113, %swap3A_114], %slice3A_112 {strides = array<i32>} : memref<64x64xf32, #tpu.memory_space<vmem>>, vector<1x64xf32>,
      %slice3A_116 = vector.extract_strided_slice %get3A_109 {offsets = [5486, 0], sizes = [1, 64], strides = [1, 1]} : vector<12800x64xf32> to vector<1x64xf32>
      %swap3A_117 = arith.constant 20 : index
      %swap3A_118 = arith.constant 0 : index
      %swap3A_119 = vector.load %arg8[%swap3A_117, %swap3A_118] : memref<64x64xf32, #tpu.memory_space<vmem>>, vector<1x64xf32>
      tpu.vector_store %arg8[%swap3A_117, %swap3A_118], %slice3A_116 {strides = array<i32>} : memref<64x64xf32, #tpu.memory_space<vmem>>, vector<1x64xf32>,
      %slice3A_120 = vector.extract_strided_slice %get3A_109 {offsets = [7787, 0], sizes = [1, 64], strides = [1, 1]} : vector<12800x64xf32> to vector<1x64xf32>
      %swap3A_121 = arith.constant 26 : index
      %swap3A_122 = arith.constant 0 : index
      %swap3A_123 = vector.load %arg8[%swap3A_121, %swap3A_122] : memref<64x64xf32, #tpu.memory_space<vmem>>, vector<1x64xf32>
      tpu.vector_store %arg8[%swap3A_121, %swap3A_122], %slice3A_120 {strides = array<i32>} : memref<64x64xf32, #tpu.memory_space<vmem>>, vector<1x64xf32>,
    } else {
    }
    %mul3A = arith.constant 12800 : i32
    %mul3A_88 = arith.muli %arg1, %mul3A : i32
    %get3A = arith.constant 0 : index
    %get3A_89 = arith.index_cast %mul3A_88 : i32 to index
    %get3A_90 = vector.load %arg6[%get3A, %get3A_89] : memref<64x102400xf32, #tpu.memory_space<vmem>>, vector<64x12800xf32>
    %mul3A_91 = arith.constant 12800 : i32
    %mul3A_92 = arith.muli %arg1, %mul3A_91 : i32
    %get3A_93 = arith.constant 0 : index
    %get3A_94 = arith.index_cast %mul3A_92 : i32 to index
    %get3A_95 = vector.load %arg7[%get3A_93, %get3A_94] : memref<1x102400xf32, #tpu.memory_space<vmem>>, vector<1x12800xf32>
    %ge3A = arith.constant 1 : i32
    %ge3A_96 = arith.cmpi sge, %arg0, %ge3A : i32
    %le3A = arith.constant 5 : i32
    %le3A_97 = arith.cmpi sle, %arg0, %le3A : i32
    %and3A_98 = arith.andi %ge3A_96, %le3A_97 : i1
    %convert_element_type3A_99 = arith.extui %and3A_98 : i1 to i32
    %cond3A_100 = arith.constant 0 : i32
    %cond3A_101 = arith.cmpi ne, %convert_element_type3A_99, %cond3A_100 : i32
    scf.if %cond3A_101 {
      %get3A_107 = arith.constant 0 : index
      %get3A_108 = arith.constant 0 : index
      %get3A_109 = vector.load %arg9[%get3A_107, %get3A_108] : memref<64x64xf32, #tpu.memory_space<vmem>>, vector<64x64xf32>
      %mul3A_110 = arith.mulf %get3A_109, %get3A_109 : vector<64x64xf32>
      %reduce_sum3A = arith.constant dense<0.000000e+00> : vector<64xf32>
      %reduce_sum3A_111 = vector.multi_reduction <add>, %mul3A_110, %reduce_sum3A [1] : vector<64x64xf32> to vector<64xf32>
      %broadcast_in_dim3A = vector.shape_cast %reduce_sum3A_111 : vector<64xf32> to vector<64x1xf32>
      %mul3A_112 = arith.constant -2.000000e+00 : f32
      %mul3A_113 = vector.broadcast %mul3A_112 : f32 to vector<64x64xf32>
      %mul3A_114 = arith.mulf %mul3A_113, %get3A_109 : vector<64x64xf32>
      %dot_general3A = arith.constant dense<0.000000e+00> : vector<64x12800xf32>
      %dot_general3A_115 = tpu.matmul %mul3A_114, %get3A_90, %dot_general3A {dimension_numbers = #tpu.dot_dimension_numbers<[1], [0], [0], [1], [0, 0, 1, 1], [], []>, transpose_lhs_hint = false} : vector<64x64xf32>, vector<64x12800xf32>, vector<64x12800xf32> -> vector<64x12800xf32>
      %add3A = vector.broadcast %broadcast_in_dim3A : vector<64x1xf32> to vector<64x12800xf32>
      %add3A_116 = arith.addf %dot_general3A_115, %add3A : vector<64x12800xf32>
      %lt3A = vector.broadcast %get3A_95 : vector<1x12800xf32> to vector<64x12800xf32>
      %lt3A_117 = arith.cmpf olt, %add3A_116, %lt3A : vector<64x12800xf32>
      %convert_element_type3A_118 = arith.extui %lt3A_117 : vector<64x12800xi1> to vector<64x12800xi32>
      %convert_element_type3A_119 = arith.sitofp %convert_element_type3A_118 : vector<64x12800xi32> to vector<64x12800xf32>
      %get3A_120 = arith.constant 0 : index
      %get3A_121 = arith.constant 0 : index
      %get3A_122 = vector.load %arg11[%get3A_120, %get3A_121] : memref<64x64xf32, #tpu.memory_space<vmem>>, vector<64x64xf32>
      %dot_general3A_123 = arith.constant dense<0.000000e+00> : vector<64x64xf32>
      %dot_general3A_124 = tpu.matmul %convert_element_type3A_119, %get3A_90, %dot_general3A_123 {dimension_numbers = #tpu.dot_dimension_numbers<[1], [1], [0], [0], [0, 0, 1, 0], [], []>, transpose_lhs_hint = false} : vector<64x12800xf32>, vector<64x12800xf32>, vector<64x64xf32> -> vector<64x64xf32>
      %add3A_125 = arith.addf %get3A_122, %dot_general3A_124 : vector<64x64xf32>
      %swap3A = arith.constant 0 : index
      %swap3A_126 = arith.constant 0 : index
      %swap3A_127 = vector.load %arg11[%swap3A, %swap3A_126] : memref<64x64xf32, #tpu.memory_space<vmem>>, vector<64x64xf32>
      tpu.vector_store %arg11[%swap3A, %swap3A_126], %add3A_125 {strides = array<i32>} : memref<64x64xf32, #tpu.memory_space<vmem>>, vector<64x64xf32>,
      %broadcast_in_dim3A_128 = arith.constant 1.000000e+00 : f32
      %broadcast_in_dim3A_129 = vector.broadcast %broadcast_in_dim3A_128 : f32 to vector<12800x1xf32>
      %get3A_130 = arith.constant 0 : index
      %get3A_131 = arith.constant 0 : index
      %get3A_132 = vector.load %arg12[%get3A_130, %get3A_131] : memref<64x1xf32, #tpu.memory_space<vmem>>, vector<64x1xf32>
      %dot_general3A_133 = arith.constant dense<0.000000e+00> : vector<64x1xf32>
      %dot_general3A_134 = tpu.matmul %convert_element_type3A_119, %broadcast_in_dim3A_129, %dot_general3A_133 {dimension_numbers = #tpu.dot_dimension_numbers<[1], [0], [0], [1], [0, 0, 1, 1], [], []>, transpose_lhs_hint = false} : vector<64x12800xf32>, vector<12800x1xf32>, vector<64x1xf32> -> vector<64x1xf32>
      %add3A_135 = arith.addf %get3A_132, %dot_general3A_134 : vector<64x1xf32>
      %swap3A_136 = arith.constant 0 : index
      %swap3A_137 = arith.constant 0 : index
      %swap3A_138 = vector.load %arg12[%swap3A_136, %swap3A_137] : memref<64x1xf32, #tpu.memory_space<vmem>>, vector<64x1xf32>
      tpu.vector_store %arg12[%swap3A_136, %swap3A_137], %add3A_135 {strides = array<i32>} : memref<64x1xf32, #tpu.memory_space<vmem>>, vector<64x1xf32>,
    } else {
    }
    %eq3A_102 = arith.constant 6 : i32
    %eq3A_103 = arith.cmpi eq, %arg0, %eq3A_102 : i32
    %convert_element_type3A_104 = arith.extui %eq3A_103 : i1 to i32
    %cond3A_105 = arith.constant 0 : i32
    %cond3A_106 = arith.cmpi ne, %convert_element_type3A_104, %cond3A_105 : i32
    scf.if %cond3A_106 {
      %get3A_107 = arith.constant 0 : index
      %get3A_108 = arith.constant 0 : index
      %get3A_109 = vector.load %arg10[%get3A_107, %get3A_108] : memref<64x64xf32, #tpu.memory_space<vmem>>, vector<64x64xf32>
      %get3A_110 = arith.constant 0 : index
      %get3A_111 = arith.constant 0 : index
      %get3A_112 = vector.load %arg9[%get3A_110, %get3A_111] : memref<64x64xf32, #tpu.memory_space<vmem>>, vector<64x64xf32>
      %mul3A_113 = arith.mulf %get3A_90, %get3A_90 : vector<64x12800xf32>
      %reduce_sum3A = arith.constant dense<0.000000e+00> : vector<12800xf32>
      %reduce_sum3A_114 = vector.multi_reduction <add>, %mul3A_113, %reduce_sum3A [0] : vector<64x12800xf32> to vector<12800xf32>
      %broadcast_in_dim3A = vector.shape_cast %reduce_sum3A_114 : vector<12800xf32> to vector<1x12800xf32>
      %mul3A_115 = arith.mulf %get3A_109, %get3A_109 : vector<64x64xf32>
      %reduce_sum3A_116 = arith.constant dense<0.000000e+00> : vector<64xf32>
      %reduce_sum3A_117 = vector.multi_reduction <add>, %mul3A_115, %reduce_sum3A_116 [1] : vector<64x64xf32> to vector<64xf32>
      %broadcast_in_dim3A_118 = vector.shape_cast %reduce_sum3A_117 : vector<64xf32> to vector<64x1xf32>
      %mul3A_119 = arith.constant -2.000000e+00 : f32
      %mul3A_120 = vector.broadcast %mul3A_119 : f32 to vector<64x64xf32>
      %mul3A_121 = arith.mulf %mul3A_120, %get3A_109 : vector<64x64xf32>
      %dot_general3A = arith.constant dense<0.000000e+00> : vector<64x12800xf32>
      %dot_general3A_122 = tpu.matmul %mul3A_121, %get3A_90, %dot_general3A {dimension_numbers = #tpu.dot_dimension_numbers<[1], [0], [0], [1], [0, 0, 1, 1], [], []>, transpose_lhs_hint = false} : vector<64x64xf32>, vector<64x12800xf32>, vector<64x12800xf32> -> vector<64x12800xf32>
      %add3A = vector.broadcast %broadcast_in_dim3A_118 : vector<64x1xf32> to vector<64x12800xf32>
      %add3A_123 = arith.addf %dot_general3A_122, %add3A : vector<64x12800xf32>
      %lt3A = vector.broadcast %get3A_95 : vector<1x12800xf32> to vector<64x12800xf32>
      %lt3A_124 = arith.cmpf olt, %add3A_123, %lt3A : vector<64x12800xf32>
      %swap3A = arith.constant 0 : index
      %swap3A_125 = arith.constant 0 : index
      %swap3A_126 = vector.load %arg4[%swap3A, %swap3A_125] : memref<64x12800xi32, #tpu.memory_space<vmem>>, vector<64x12800xi32>
      %swap3A_127 = arith.extui %lt3A_124 : vector<64x12800xi1> to vector<64x12800xi32>
      %swap3A_128 = arith.constant dense<0> : vector<64x12800xi32>
      %swap3A_129 = arith.cmpi ne, %swap3A_126, %swap3A_128 : vector<64x12800xi32>
      tpu.vector_store %arg4[%swap3A, %swap3A_125], %swap3A_127 {strides = array<i32>} : memref<64x12800xi32, #tpu.memory_space<vmem>>, vector<64x12800xi32>,
      %mul3A_130 = arith.mulf %get3A_112, %get3A_112 : vector<64x64xf32>
      %reduce_sum3A_131 = arith.constant dense<0.000000e+00> : vector<64xf32>
      %reduce_sum3A_132 = vector.multi_reduction <add>, %mul3A_130, %reduce_sum3A_131 [1] : vector<64x64xf32> to vector<64xf32>
      %broadcast_in_dim3A_133 = vector.shape_cast %reduce_sum3A_132 : vector<64xf32> to vector<64x1xf32>
      %mul3A_134 = arith.constant -2.000000e+00 : f32
      %mul3A_135 = vector.broadcast %mul3A_134 : f32 to vector<64x64xf32>
      %mul3A_136 = arith.mulf %mul3A_135, %get3A_112 : vector<64x64xf32>
      %dot_general3A_137 = arith.constant dense<0.000000e+00> : vector<64x12800xf32>
      %dot_general3A_138 = tpu.matmul %mul3A_136, %get3A_90, %dot_general3A_137 {dimension_numbers = #tpu.dot_dimension_numbers<[1], [0], [0], [1], [0, 0, 1, 1], [], []>, transpose_lhs_hint = false} : vector<64x64xf32>, vector<64x12800xf32>, vector<64x12800xf32> -> vector<64x12800xf32>
      %add3A_139 = vector.broadcast %broadcast_in_dim3A_133 : vector<64x1xf32> to vector<64x12800xf32>
      %add3A_140 = vector.broadcast %broadcast_in_dim3A : vector<1x12800xf32> to vector<64x12800xf32>
      %add3A_141 = arith.addf %add3A_139, %add3A_140 : vector<64x12800xf32>
      %add3A_142 = arith.addf %add3A_141, %dot_general3A_138 : vector<64x12800xf32>
      %max3A = arith.constant 0.000000e+00 : f32
      %max3A_143 = vector.broadcast %max3A : f32 to vector<64x12800xf32>
      %max3A_144 = arith.maximumf %add3A_142, %max3A_143 : vector<64x12800xf32>
      %sqrt3A = math.sqrt %max3A_144 : vector<64x12800xf32>
      %jit3A = arith.constant 0x7F800000 : f32
      %broadcast_in_dim3A_145 = vector.broadcast %jit3A : f32 to vector<64x12800xf32>
      %select_n3A = arith.select %lt3A_124, %sqrt3A, %broadcast_in_dim3A_145 : vector<64x12800xi1>, vector<64x12800xf32>
      %reduce_min3A = arith.constant dense<0x7F800000> : vector<64xf32>
      %reduce_min3A_146 = vector.multi_reduction <minimumf>, %select_n3A, %reduce_min3A [1] : vector<64x12800xf32> to vector<64xf32>
      %broadcast_in_dim3A_147 = vector.shape_cast %reduce_min3A_146 : vector<64xf32> to vector<64x1xf32>
      %iota3A = tpu.iota {dimensions = array<i32: 1>} : vector<64x12800xi32>
      %eq3A_148 = vector.broadcast %broadcast_in_dim3A_147 : vector<64x1xf32> to vector<64x12800xf32>
      %eq3A_149 = arith.cmpf oeq, %select_n3A, %eq3A_148 : vector<64x12800xf32>
      %jit3A_150 = arith.constant 12800 : i32
      %broadcast_in_dim3A_151 = vector.broadcast %jit3A_150 : i32 to vector<64x12800xi32>
      %select_n3A_152 = arith.select %eq3A_149, %iota3A, %broadcast_in_dim3A_151 : vector<64x12800xi1>, vector<64x12800xi32>
      %reduce_min3A_153 = arith.constant dense<2147483647> : vector<64xi32>
      %reduce_min3A_154 = vector.multi_reduction <minsi>, %select_n3A_152, %reduce_min3A_153 [1] : vector<64x12800xi32> to vector<64xi32>
      %broadcast_in_dim3A_155 = vector.shape_cast %reduce_min3A_154 : vector<64xi32> to vector<64x1xi32>
      %get3A_156 = arith.constant 0 : index
      %get3A_157 = arith.constant 0 : index
      %get3A_158 = vector.load %arg13[%get3A_156, %get3A_157] : memref<64x1xf32, #tpu.memory_space<vmem>>, vector<64x1xf32>
      %lt3A_159 = arith.cmpf olt, %broadcast_in_dim3A_147, %get3A_158 : vector<64x1xf32>
      %mul3A_160 = arith.constant 12800 : i32
      %mul3A_161 = arith.muli %arg1, %mul3A_160 : i32
      %add3A_162 = vector.broadcast %mul3A_161 : i32 to vector<64x1xi32>
      %add3A_163 = arith.addi %add3A_162, %broadcast_in_dim3A_155 : vector<64x1xi32>
      %get3A_164 = arith.constant 0 : index
      %get3A_165 = arith.constant 0 : index
      %get3A_166 = vector.load %arg14[%get3A_164, %get3A_165] : memref<64x1xi32, #tpu.memory_space<vmem>>, vector<64x1xi32>
      %select_n3A_167 = arith.select %lt3A_159, %add3A_163, %get3A_166 : vector<64x1xi1>, vector<64x1xi32>
      %swap3A_168 = arith.constant 0 : index
      %swap3A_169 = arith.constant 0 : index
      %swap3A_170 = vector.load %arg14[%swap3A_168, %swap3A_169] : memref<64x1xi32, #tpu.memory_space<vmem>>, vector<64x1xi32>
      tpu.vector_store %arg14[%swap3A_168, %swap3A_169], %select_n3A_167 {strides = array<i32>} : memref<64x1xi32, #tpu.memory_space<vmem>>, vector<64x1xi32>,
      %get3A_171 = arith.constant 0 : index
      %get3A_172 = arith.constant 0 : index
      %get3A_173 = vector.load %arg13[%get3A_171, %get3A_172] : memref<64x1xf32, #tpu.memory_space<vmem>>, vector<64x1xf32>
      %select_n3A_174 = arith.select %lt3A_159, %broadcast_in_dim3A_147, %get3A_173 : vector<64x1xi1>, vector<64x1xf32>
      %swap3A_175 = arith.constant 0 : index
      %swap3A_176 = arith.constant 0 : index
      %swap3A_177 = vector.load %arg13[%swap3A_175, %swap3A_176] : memref<64x1xf32, #tpu.memory_space<vmem>>, vector<64x1xf32>
      tpu.vector_store %arg13[%swap3A_175, %swap3A_176], %select_n3A_174 {strides = array<i32>} : memref<64x1xf32, #tpu.memory_space<vmem>>, vector<64x1xf32>,
      %eq3A_178 = arith.constant 7 : i32
      %eq3A_179 = arith.cmpi eq, %arg1, %eq3A_178 : i32
      %convert_element_type3A_180 = arith.extui %eq3A_179 : i1 to i32
      %cond3A_181 = arith.constant 0 : i32
      %cond3A_182 = arith.cmpi ne, %convert_element_type3A_180, %cond3A_181 : i32
      scf.if %cond3A_182 {
        %swap3A_183 = arith.constant 0 : index
        %swap3A_184 = arith.constant 0 : index
        %swap3A_185 = vector.load %arg3[%swap3A_183, %swap3A_184] : memref<64x64xf32, #tpu.memory_space<vmem>>, vector<64x64xf32>
        tpu.vector_store %arg3[%swap3A_183, %swap3A_184], %get3A_112 {strides = array<i32>} : memref<64x64xf32, #tpu.memory_space<vmem>>, vector<64x64xf32>,
        %get3A_186 = arith.constant 0 : index
        %get3A_187 = arith.constant 0 : index
        %get3A_188 = vector.load %arg14[%get3A_186, %get3A_187] : memref<64x1xi32, #tpu.memory_space<vmem>>, vector<64x1xi32>
        %swap3A_189 = arith.constant 0 : index
        %swap3A_190 = arith.constant 0 : index
        %swap3A_191 = vector.load %arg5[%swap3A_189, %swap3A_190] : memref<64x1xi32, #tpu.memory_space<vmem>>, vector<64x1xi32>
        tpu.vector_store %arg5[%swap3A_189, %swap3A_190], %get3A_188 {strides = array<i32>} : memref<64x1xi32, #tpu.memory_space<vmem>>, vector<64x1xi32>,
      } else {
      }
    } else {
    }
    return
  }
  func.func @transform_0(%arg0: i32, %arg1: i32) -> (i32, i32) {
    %eq3A = arith.constant 0 : i32
    %eq3A_0 = arith.cmpi eq, %arg0, %eq3A : i32
    %jit3A = arith.constant 0 : i32
    %select_n3A = arith.select %eq3A_0, %arg1, %jit3A : i32
    %c0_i32 = arith.constant 0 : i32
    %c0_i32_1 = arith.constant 0 : i32
    return %select_n3A, %c0_i32 : i32, i32
  }
  func.func @transform_1(%arg0: i32, %arg1: i32) -> (i32, i32) {
    %c0_i32 = arith.constant 0 : i32
    %c0_i32_0 = arith.constant 0 : i32
    %c0_i32_1 = arith.constant 0 : i32
    return %c0_i32, %c0_i32_0 : i32, i32
  }
  func.func @transform_2(%arg0: i32, %arg1: i32) -> (i32, i32) {
    %eq3A = arith.constant 6 : i32
    %eq3A_0 = arith.cmpi eq, %arg0, %eq3A : i32
    %jit3A = arith.constant 0 : i32
    %select_n3A = arith.select %eq3A_0, %arg1, %jit3A : i32
    %c0_i32 = arith.constant 0 : i32
    %c0_i32_1 = arith.constant 0 : i32
    return %c0_i32, %select_n3A : i32, i32
  }
  func.func @transform_3(%arg0: i32, %arg1: i32) -> (i32, i32) {
    %c0_i32 = arith.constant 0 : i32
    %c0_i32_0 = arith.constant 0 : i32
    %c0_i32_1 = arith.constant 0 : i32
    return %c0_i32, %c0_i32_0 : i32, i32
  }
}

</mosaic_0001>

<sc_bundles>
// kernel: kernel.4.cloned.1.call-start
scs
__scs_entry_jumppad:
0x0: {  	(pc) =	sbr.rel $0x88, $3  }
0x1: {  	(tag) =	ssettag $0x0;
	lr =	simm.s32 $0x1  }
0x2: {  	[smem:$0x3FA0] =	sst lr;
	_ =	strace $0xD0000000  }
0x3: {  	_ = 	snop  }
0x4: {  	_ = 	snop  }
0x5: {  	_ = 	snop  }
0x6: {  	_ = 	snop  }
0x7: {  	_ = 	snop  }
__scs_overlays_trampoline_lowered:
0x8: {  	[smem:$0x3FAF] =	sst s0  }
0x9: {  	[smem:$0x3FB0] =	sst s1  }
0xa: {  	[smem:$0x3FB1] =	sst s2  }
0xb: {  	[smem:$0x3FB2] =	sst s3  }
0xc: {  	[smem:$0x3FB3] =	sst s4  }
0xd: {  	[smem:$0x3FB4] =	sst s5  }
0xe: {  	[smem:$0x3FB5] =	sst s6  }
0xf: {  	[smem:$0x3FB6] =	sst s7  }
0x10: {  	[smem:$0x3FB7] =	sst s8  }
0x11: {  	[smem:$0x3FB8] =	sst s9;
	s0 =	simm.s32 @!p0 $0x0  }
0x12: {  	s1 =	sld [smem:$0x3F9E];
	s0 =	simm.s32 @p0 $0x1  }
0x13: {  	[smem:$0x3FB9] =	sst s0;
	s0 =	simm.s32 @!p1 $0x0  }
0x14: {  	s2 =	sld [smem:$0x3F9D];
	s0 =	simm.s32 @p1 $0x1  }
0x15: {  	[smem:$0x3FBA] =	sst s0;
	s0 =	simm.s32 @!p2 $0x0  }
0x16: {  	s3 =	sld [smem:$0x3FDB];
	s0 =	simm.s32 @p2 $0x1  }
0x17: {  	s4 =	simm.s32 $0x1BF5;
	[smem:$0x3FBC] =	sst s0  }
0x18: {  	s0 =	sld [smem:$0x3F9F];
	_ =	swait.ge [sflag:s4], $0x0  }
0x19: {  	s7 =	sld [smem:$0x3FA0]  }
0x1a: {  	s8 =	sadd.s32 $0xFFFFE003, lr  }
0x1b: {  	s9 =	sadd.s32 $0xFFFFFEF7, lr;
	s5 =	simm.s32 $0xFFFFFFFF;
	p2 =	slt.u32 s8, $0xFFFFF086  }
0x1c: {  	p1 =	slt.u32 s9, $0xF7A;
	s5 =	simm.s32 @!p2 $0x0  }
0x1d: {  	s5 =	simm.s32 @p1 $0x1;
	p0 =	seq.s32 s7, s2  }
0x1e: {  	s7 =	smul.u32 @!p0 $0xF7A, s2;
	p2 =	seq.s32 @!p0 s5, $0x0  }
0x1f: {  	s9 =	smul.u32 $0xF7A, s1;
	s8 =	simm.s32 @!p0 $0x1BF5;
	p2 =	por !p2, p0  }
0x20: {  	[sflag:s8] =	ssyncset.s32 @!p0 $0xFFFFF086;
	s6 =	sadd.s32 @!p0 s3, s7;
	s7 =	simm.s32 @!p0 $0x108  }
0x21: {  	s3 =	sadd.s32 s3, s9;
	s6 =	sadd.s32 @!p0 $0x88, s6;
	s7 =	simm.s32 @p2 $0x1082  }
0x22: {  	[simem:s7], [sflag:s8] =	dma.local @!p0 [hbm:s6], $0xF7A  }
0x23: {  	s9 =	sor.u32 $0xD0000000, s2;
	s6 =	simm.s32 $0x108;
	_ =	swait.ge @!p0 [sflag:s8], $0x0  }
0x24: {  	s3 =	sadd.s32 $0x88, s3;
	s6 =	simm.s32 @!p1 $0x1082;
	[sflag:s4] =	ssyncset.s32 $0xFFFFF086  }
0x25: {  	[simem:s6], [sflag:s4] =	dma.local [hbm:s3], $0xF7A  }
0x26: {  	[smem:$0x3FA0] =	sst s1;
	(tag) =	ssettag s2;
	_ =	strace s9  }
0x27: {  	s1 =	sld [smem:$0x3FB0]  }
0x28: {  	s2 =	sld [smem:$0x3FB1]  }
0x29: {  	s4 =	sld [smem:$0x3FB3]  }
0x2a: {  	p0 =	seq.s32 s5, $0x0;
	s5 =	sld [smem:$0x3FB4]  }
0x2b: {  	s6 =	sld [smem:$0x3FB5]  }
0x2c: {  	s7 =	sld [smem:$0x3FB6]  }
0x2d: {  	s3 =	simm.s32 $0x108;
	s8 =	sld [smem:$0x3FB7]  }
0x2e: {  	s3 =	simm.s32 @!p0 $0x1082;
	s9 =	sld [smem:$0x3FB8]  }
0x2f: {  	lr =	sadd.s32 s0, s3;
	s0 =	sld [smem:$0x3FAF]  }
0x30: {  	s3 =	sld [smem:$0x3FB2]  }
0x31: {  	[smem:$0x3FBB] =	sst s10  }
0x32: {  	s10 =	sld [smem:$0x3FB9];
	_ =	sdelay $0x3  }
0x33: {  	p0 =	seq.s32 s10, $0x1;
	s10 =	sld [smem:$0x3FBB];
	_ =	sdelay $0x3  }
0x34: {  	[smem:$0x3FBB] =	sst s10  }
0x35: {  	s10 =	sld [smem:$0x3FBA];
	_ =	sdelay $0x3  }
0x36: {  	p1 =	seq.s32 s10, $0x1;
	s10 =	sld [smem:$0x3FBB];
	_ =	sdelay $0x3  }
0x37: {  	[smem:$0x3FBB] =	sst s10  }
0x38: {  	s10 =	sld [smem:$0x3FBC]  }
0x39: {  	_ = 	snop;
	(pc) =	sbr.ind lr, $3  }
0x3a: {  	_ = 	snop  }
0x3b: {  	_ = 	snop  }
0x3c: {  	p2 =	seq.s32 s10, $0x1;
	s10 =	sld [smem:$0x3FBB]  }
0x3d: {  	_ =	shalt  }
0x3e: {  	_ =	shalt  }
0x3f: {  	_ =	shalt  }
0x40: {  	_ =	shalt  }
0x41: {  	_ =	shalt  }
0x42: {  	_ =	shalt  }
0x43: {  	_ =	shalt  }
0x44: {  	_ =	shalt  }
0x45: {  	_ =	shalt  }
0x46: {  	_ =	shalt  }
0x47: {  	_ =	shalt  }
0x48: {  	_ =	shalt  }
0x49: {  	_ =	shalt  }
0x4a: {  	_ =	shalt  }
0x4b: {  	_ =	shalt  }
0x4c: {  	_ =	shalt  }
0x4d: {  	_ =	shalt  }
0x4e: {  	_ =	shalt  }
0x4f: {  	_ =	shalt  }
0x50: {  	_ =	shalt  }
0x51: {  	_ =	shalt  }
0x52: {  	_ =	shalt  }
0x53: {  	_ =	shalt  }
0x54: {  	_ =	shalt  }
0x55: {  	_ =	shalt  }
0x56: {  	_ =	shalt  }
0x57: {  	_ =	shalt  }
0x58: {  	_ =	shalt  }
0x59: {  	_ =	shalt  }
0x5a: {  	_ =	shalt  }
0x5b: {  	_ =	shalt  }
0x5c: {  	_ =	shalt  }
0x5d: {  	_ =	shalt  }
0x5e: {  	_ =	shalt  }
0x5f: {  	_ =	shalt  }
0x60: {  	_ =	shalt  }
0x61: {  	_ =	shalt  }
0x62: {  	_ =	shalt  }
0x63: {  	_ =	shalt  }
0x64: {  	_ =	shalt  }
0x65: {  	_ =	shalt  }
0x66: {  	_ =	shalt  }
0x67: {  	_ =	shalt  }
0x68: {  	_ =	shalt  }
0x69: {  	_ =	shalt  }
0x6a: {  	_ =	shalt  }
0x6b: {  	_ =	shalt  }
0x6c: {  	_ =	shalt  }
0x6d: {  	_ =	shalt  }
0x6e: {  	_ =	shalt  }
0x6f: {  	_ =	shalt  }
0x70: {  	_ =	shalt  }
0x71: {  	_ =	shalt  }
0x72: {  	_ =	shalt  }
0x73: {  	_ =	shalt  }
0x74: {  	_ =	shalt  }
0x75: {  	_ =	shalt  }
0x76: {  	_ =	shalt  }
0x77: {  	_ =	shalt  }
0x78: {  	_ =	shalt  }
0x79: {  	_ =	shalt  }
0x7a: {  	_ =	shalt  }
0x7b: {  	_ =	shalt  }
0x7c: {  	_ =	shalt  }
0x7d: {  	_ =	shalt  }
0x7e: {  	_ =	shalt  }
0x7f: {  	_ =	shalt  }
0x80: {  	_ =	shalt  }
0x81: {  	_ =	shalt  }
0x82: {  	_ =	shalt  }
0x83: {  	_ =	shalt  }
0x84: {  	_ =	shalt  }
0x85: {  	_ =	shalt  }
0x86: {  	_ =	shalt  }
0x87: {  	_ =	shalt  }
.Lfunc_end0:
.L_simem_size_0:
called_computation_lowered:
.L_overlay_start_0:
0x88: {  	s2 =	sld [smem:$0x3FD9]  }
0x89: {  	s3 =	sld [smem:$0x3FFE];
	_ =	sdelay $0x1  }
0x8a: {  	s1 =	srdreg.scid  }
0x8b: {  	s0 =	sand.u32 $0x1, s1  }
0x8c: {  	s14 =	sshll.u32 s0, $0xA;
	s2 =	sadd.s32 s3, s2  }
0x8d: {  	s2 =	sadd.s32 s2, s14  }
0x8e: {  	[smem:$0x3FC7] =	sst s2  }
0x8f: {  	_ = 	snop  }
0x90: {  	s2 =	sld [smem:$0x3FD0];
	_ =	sdelay $0x2  }
0x91: {  	s15 =	simm.s32 $0xA;
	s4 =	simm.s32 $0x10  }
0x92: {  	[smem:s4], [sflag:s15] =	dma.local [hbm:s2], $0x1  }
0x93: {  	_ =	swait.eq [sflag:s15], $0x1  }
0x94: {  	[sflag:s15] =	ssyncset.done $0x0  }
0x95: {  	[sflag:s15] =	ssyncadd.s32 $0xFFFFFFFF  }
0x96: {  	s16 =	sld [smem:$0x13];
	(tm) =	ssettm $0x1  }
0x97: {  	s17 =	sld [smem:$0x3FFB];
	_ =	sdelay $0x3  }
0x98: {  	_ =	strace s17  }
0x99: {  	s3 =	sld [smem:$0x3FFC];
	_ =	sdelay $0x3  }
0x9a: {  	_ =	strace s3  }
0x9b: {  	s3 =	sld [smem:$0x3FFD];
	_ =	sdelay $0x3  }
0x9c: {  	_ =	strace s3  }
0x9d: {  	_ =	strace $0x8FFFFFFF  }
0x9e: {  	s18 =	sld [smem:$0x3FDB];
	_ =	sdelay $0x1  }
0x9f: {  	s19 =	simm.s32 $_scs_section_size  }
0xa0: {  	s5 =	simm.s32 $_size__tile_overlayer_lowered;
	s6 =	simm.s32 $_tile_overlayer_lowered  }
0xa1: {  	s22 =	simm.s32 $0x1BFF;
	s21 =	sshll.u32 s6, $0x1;
	s3 =	sadd.s32 s19, s18  }
0xa2: {  	s7 =	simm.s32 $0x0;
	s20 =	sshll.u32 s5, $0x1;
	s5 =	sadd.s32 s21, s3  }
0xa3: {  	[timem:s7], [sflag:s22] =	dma.local [hbm:s5], s20  }
0xa4: {  	_ =	swait.ge [sflag:s22], s20  }
0xa5: {  	s4 =	ssub.s32 $0x0, s20;
	[sflag:s22] =	ssyncset.done $0x0  }
0xa6: {  	[sflag:s22] =	ssyncadd.s32 s4;
	_ =	sdelay $0x1  }
0xa7: {  	s23 =	simm.s32 $0x1B8B  }
0xa8: {  	_ =	swait.ge [sflag:s23], $0x1  }
0xa9: {  	[sflag:s23] =	ssyncset.done $0x0  }
0xaa: {  	s25 =	simm.s32 $0x1B8E;
	s24 =	sld [smem:$0x3FFE];
	[sflag:s23] =	ssyncadd.s32 $0xFFFFFFFF  }
0xab: {  	s26 =	simm.s32 $execute0_lowered;
	[smem:$0x3FD2] =	sst s25  }
0xac: {  	s5 =	sshll.u32 s26, $0x1;
	_ =	strace $0x80000046;
	[dreg:$0x1] =	wrdreg $0xFFFFFFFF  }
0xad: {  	s28 =	simm.s32 $_size_execute0_lowered;
	s3 =	sadd.s32 s3, s5;
	[dreg:$0x0] =	wrdreg $0x0  }
0xae: {  	s5 =	sshll.u32 s28, $0x1;
	[dreg:$0x2] =	wrdreg s3  }
0xaf: {  	[dreg:$0x3] =	wrdreg s5  }
0xb0: {  	[dreg:$0x4] =	wrdreg $0xC0  }
0xb1: {  	_ =	task [dreg:s7], $0x5FFFF  }
0xb2: {  	[dreg:$0x1] =	wrdreg $0xFFFFFFFF  }
0xb3: {  	[dreg:$0x0] =	wrdreg $0x60  }
0xb4: {  	[dreg:$0x2] =	wrdreg s24  }
0xb5: {  	[dreg:$0x3] =	wrdreg s16  }
0xb6: {  	[dreg:$0x4] =	wrdreg $0x9  }
0xb7: {  	_ =	task.clear_ibuf [dreg:s7], $0x5FFFF;
	_ =	strace $0x90000046  }
0xb8: {  	s29 =	simm.s32 $0x9;
	_ =	strace $0x80000048  }
0xb9: {  	_ =	swait.ge [sflag:s29], $0x1  }
0xba: {  	[sflag:s29] =	ssyncadd.s32 $0xFFFFFFFF  }
0xbb: {  	_ =	strace $0x90000048  }
0xbc: {  	_ =	sfence  }
0xbd: {  	s30 =	sld [smem:$0x0];
	_ =	sdelay $0x2  }
0xbe: {  	s31 =	sshll.u32 s1, $0xD;
	s1 =	sshrl.u32 s1, $0x2  }
0xbf: {  	s3 =	sand.u32 $0x4000, s31;
	s1 =	sadd.s32 s1, s30  }
0xc0: {  	s0 =	sor.u32 s3, s0;
	s1 =	sshll.u32 s1, $0x11  }
0xc1: {  	s0 =	sor.u32 s1, s0  }
0xc2: {  	s0 =	sadd.s32 $0x8F2B, s0  }
0xc3: {  	[sflag:s0] =	ssyncadd.remote.s32 $0x1  }
0xc4: {  	_ =	sfence.sel $0xFFFF  }
0xc5: {  	[dreg:$0x0] =	wrdreg $0xFFFFFFFF;
	(pc) =	sbr.abs _section_cstart, $3  }
0xc6: {  	[dreg:$0x1] =	wrdreg $0xFFFFFFFF  }
0xc7: {  	_ =	task.clear_ibuf [dreg:s7], $0x2FFFF;
	_ =	strace $0x9FFFFFFF  }
0xc8: {  	(tm) =	ssettm $0x7FFFFFFF  }
0xc9: {  	_ =	shalt  }
tec
execute0_lowered:
.L_overlay_start_1:
0x0: {  	(tag) =	ssettag $0x1  }
0x1: {  	s1 =	stileid.u32  }
0x2: {  	p0 =	sgt.u32 s1, $0x3  }
.Ltmp0:
0x3: {  	_ = 	snop;
	(pc) =	sbr.rel @p0 .LBB2_4-.Ltmp0, $4  }
0x4: {  	s8 =	rddreg [dreg:$0x0]  }
0x5: {  	s3 =	rddreg [dreg:$0x1];
	s2 =	simm.s32 $0x0  }
0x6: {  	[smem:$0x7FF] =	sst s2  }
0x7: {  	s0 =	rddreg [dreg:$0x2];
	_ =	strace $0x80000047  }
0x8: {  	s4 =	srdreg.scid  }
0x9: {  	s29 =	sshll.u32 s1, $0x1;
	s6 =	sand.u32 $0x1, s4  }
0xa: {  	s5 =	sadd.s32 $0x24C200, s8;
	s7 =	simm.s32 $0x1;
	s9 =	sor.u32 s6, s29  }
0xb: {  	s10 =	ssub.s32 $0x2, s6;
	s4 =	sadd.s32 s3, s9;
	s3 =	simm.s32 $0x2  }
0xc: {  	[tilespmem:s2], [sflag:$0x2] =	stream.linear.gather [hbm4b:s4+s2], $0x8, $0x38;
	[tilespmem:$0x208] =	vst v63  }
0xd: {  	s6 =	simm.s32 $0x8;
	s11 =	sshrl.u32 s10, $0x1;
	_ =	swait.ge [sflag:s3], $0x8  }
0xe: {  	s9 =	sshll.u32 s9, $0x6;
	s31 =	ssub.s32 s10, s11;
	[sflag:s3] =	ssyncset.done $0x0  }
0xf: {  	s30 =	sadd.s32 s9, s8;
	s9 =	smax.u32 s31, $0x1;
	[sflag:s3] =	ssyncadd.s32 $0xFFFFFFF8  }
0x10: {  	[tilespmem:s6], [sflag:$0x1] =	stream.indirect.gather [hbm4b:s5+s6], $0x40, s2, s6, $0xb8;
	[tilespmem:$0x208] =	vst v63  }
0x11: {  	p0 =	sne.s32 s9, $0x1;
	_ =	swait.ge [sflag:s7], $0x200  }
.Ltmp1:
0x12: {  	[sflag:s7] =	ssyncset.done $0x0;
	(pc) =	sbr.rel @!p0 .LBB2_3-.Ltmp1, $4  }
0x13: {  	s8 =	sadd.s32 $0x2000, s30;
	[sflag:s7] =	ssyncadd.s32 $0xFFFFFE00  }
0x14: {  	[hbm4b:s8+s2] =	stream.linear.scatter [tilespmem:s6], [sflag:$0x2], $0x200, $0x38;
	[tilespmem:$0x208] =	vst v63  }
0x15: {  	_ =	swait.ge [sflag:s3], $0x200  }
0x16: {  	s9 =	sadd.s32 $0xFFFFFFFF, s9;
	[sflag:s3] =	ssyncset.done $0x0  }
.LBB2_2:
0x17: {  	p0 =	sne.s32 s9, $0x1;
	s9 =	sadd.s32 $0xFFFFFFFF, s9;
	[sflag:s3] =	ssyncadd.s32 $0xFFFFFE00  }
0x18: {  	[tilespmem:s2], [sflag:$0x2] =	stream.linear.gather [hbm4b:s4+s2], $0x8, $0x38;
	[tilespmem:$0x208] =	vst v63  }
0x19: {  	_ =	swait.ge [sflag:s3], $0x8  }
0x1a: {  	[sflag:s3] =	ssyncset.done $0x0  }
0x1b: {  	[sflag:s3] =	ssyncadd.s32 $0xFFFFFFF8  }
0x1c: {  	[tilespmem:s6], [sflag:$0x1] =	stream.indirect.gather [hbm4b:s5+s6], $0x40, s2, s6, $0xb8;
	[tilespmem:$0x208] =	vst v63  }
0x1d: {  	_ =	swait.ge [sflag:s7], $0x200  }
.Ltmp2:
0x1e: {  	[sflag:s7] =	ssyncset.done $0x0;
	(pc) =	sbr.rel @p0 .LBB2_2-.Ltmp2, $4  }
0x1f: {  	[sflag:s7] =	ssyncadd.s32 $0xFFFFFE00  }
0x20: {  	[hbm4b:s8+s2] =	stream.linear.scatter [tilespmem:s6], [sflag:$0x2], $0x200, $0x38;
	[tilespmem:$0x208] =	vst v63  }
0x21: {  	_ =	swait.ge [sflag:s3], $0x200  }
0x22: {  	[sflag:s3] =	ssyncset.done $0x0  }
.LBB2_3:
0x23: {  	[sflag:s3] =	ssyncadd.s32 $0xFFFFFE00  }
.LBB2_4:
0x24: {  	_ =	sfence.sel $0x180000  }
0x25: {  	[bflag:$0x0] =	sbarrier.arrive $0xFFFF  }
0x26: {  	p0 =	sne.s32 s1, $0x0;
	_ =	strace $0x90000047  }
0x27: {  	s0 =	sadd.s32 @!p0 $0x100000, s0;
	[bflag:$0x2] =	sbarrier.arrive $0xFFFF  }
0x28: {  	[sflag:s0] =	ssyncadd.tile.s32 @!p0 $0x1;
	_ =	shalt  }
.Lfunc_end2:
_tile_overlayer_lowered:
.L_overlay_start_2:
0x29: {  	(tag) =	ssettag $0x2  }
0x2a: {  	s0 =	rddreg [dreg:$0x0];
	s2 =	stileid.u32  }
0x2b: {  	s1 =	rddreg [dreg:$0x1];
	p0 =	sne.s32 s2, $0x0  }
0x2c: {  	s3 =	rddreg [dreg:$0x2];
	[bflag:$0x3] =	sbarrier.arrive $0xFFFF;
	s2 =	simm.s32 @!p0 $0x1C02  }
0x2d: {  	[timem:s3], [sflag:s2] =	dma.local @!p0 [hbm:s0], s1  }
0x2e: {  	s0 =	simm.s32 @!p0 $0x2  }
0x2f: {  	_ =	swait.ge @!p0 [sflag:s0], s1  }
0x30: {  	s1 =	ssub.s32 @!p0 $0x0, s1;
	[sflag:s0] =	ssyncset.done @!p0 $0x0  }
0x31: {  	[sflag:s0] =	ssyncadd.s32 @!p0 s1  }
0x32: {  	[bflag:$0x3] =	sbarrier.arrive $0xFFFF  }
0x33: {  	_ =	shalt  }

</sc_bundles>
